<compile_context>
chip_gen: v7x
topology: tpu7x:2x2x1
jax: 0.10.2.dev20260603
libtpu: 0.0.44.dev20260713+nightly
codegen_flags: <defaults>
</compile_context>

<pallas_src>
import functools

import jax
import jax.numpy as jnp
from jax import lax
from jax.experimental import pallas as pl
from jax.experimental.pallas import tpu as pltpu
from jax.experimental.pallas import tpu_sc as plsc

N_VOCAB = 1000000
EMBED_DIM = 32
BATCH = 16384

_NC = 2
_NS = 16
_NW = _NC * _NS
_B_PER_W = BATCH // _NW
_LANES = 128
_CH = 16
_N_CH = _B_PER_W // _CH
_DEPTH = 8


def _fire(tab_t_hbm, idx, buf, sem):
    off = pl.multiple_of((idx >> 7) << 7, _LANES)
    pltpu.async_copy(tab_t_hbm.at[:, pl.ds(off, _LANES)], buf, sem)


def _drain(tab_t_hbm, buf, sem):
    pltpu.make_async_copy(tab_t_hbm.at[:, pl.ds(0, _LANES)], buf, sem).wait()


def _extract(idx, j, buf, cols_v, rows0, rows1):
    lane = jnp.full((16,), idx & (_LANES - 1), jnp.int32)
    col = jnp.full((16,), j, jnp.int32)
    g0 = plsc.load_gather(buf, [rows0, lane])
    g1 = plsc.load_gather(buf, [rows1, lane])
    plsc.store_scatter(cols_v, [rows0, col], g0)
    plsc.store_scatter(cols_v, [rows1, col], g1)


def _gather_body(idx_hbm, tab_t_hbm, out_t_hbm, idx_s,
                 b0, b1, b2, b3, b4, b5, b6, b7, cols_v,
                 s0, s1, s2, s3, s4, s5, s6, s7):
    wid = lax.axis_index("s") * _NC + lax.axis_index("c")
    base = wid * _B_PER_W
    pltpu.sync_copy(idx_hbm.at[pl.ds(base, _B_PER_W)], idx_s)

    rows0 = lax.iota(jnp.int32, 16)
    rows1 = rows0 + 16
    bufs = (b0, b1, b2, b3, b4, b5, b6, b7)
    sems = (s0, s1, s2, s3, s4, s5, s6, s7)

    v0 = idx_s[pl.ds(0, _CH)]
    for i in range(_DEPTH):
        _fire(tab_t_hbm, v0[i], bufs[i], sems[i])

    def _chunk(k, vcur):
        nk = jnp.minimum(k + 1, _N_CH - 1)
        vnext = idx_s[pl.ds(nk * _CH, _CH)]
        for i in range(_CH):
            j = k * _CH + i
            buf, sem = bufs[i % _DEPTH], sems[i % _DEPTH]
            _drain(tab_t_hbm, buf, sem)
            _extract(vcur[i], j, buf, cols_v, rows0, rows1)
            if i < _CH - _DEPTH:
                _fire(tab_t_hbm, vcur[i + _DEPTH], buf, sem)
            else:

                @pl.when(k < _N_CH - 1)
                def _():
                    _fire(tab_t_hbm, vnext[i - (_CH - _DEPTH)], buf, sem)

        return vnext

    lax.fori_loop(0, _N_CH, _chunk, v0, unroll=False)

    pltpu.sync_copy(cols_v, out_t_hbm.at[:, pl.ds(base, _B_PER_W)])


@jax.jit
def _sc_gather(user_id, table_t):
    mesh = plsc.VectorSubcoreMesh(core_axis_name="c", subcore_axis_name="s")
    return pl.kernel(
        _gather_body,
        out_type=jax.ShapeDtypeStruct((EMBED_DIM, BATCH), jnp.float32),
        mesh=mesh,
        scratch_types=(
            [pltpu.VMEM((_B_PER_W,), jnp.int32)]
            + [pltpu.VMEM((EMBED_DIM, _LANES), jnp.float32)] * _DEPTH
            + [pltpu.VMEM((EMBED_DIM, _B_PER_W), jnp.float32)]
            + [pltpu.SemaphoreType.DMA] * _DEPTH
        ),
        compiler_params=pltpu.CompilerParams(needs_layout_passes=False),
    )(user_id, table_t)


def kernel(user_id, table):
    out_t = _sc_gather(user_id, table.T)
    return out_t.T

# --- scband reference (transcript-rebuilt; emitter-appended) ---
"""Pipeline reference for scband-user-model-412316860425 (READ-ONLY COPY).

The authoritative reference and input builder live on the scoring server;
editing this copy changes nothing except your own understanding.
"""

import jax, jax.numpy as jnp
import numpy as np

N_VOCAB = 1000000
EMBED_DIM = 32
BATCH = 16384

def setup_inputs(seed: int = 0) -> dict:
    key = jax.random.key(seed)
    k1, k2 = jax.random.split(key)
    # StringLookup maps raw user_id strings to integer indices in [0, vocab];
    # index 0 is reserved for OOV, so table has vocab+1 rows. We model the
    # post-lookup integer indices directly.
    user_id = jax.random.randint(k1, (BATCH,), 0, N_VOCAB + 1, dtype=jnp.int64 if jax.config.jax_enable_x64 else jnp.int32).astype(jnp.int32)
    table = jax.random.normal(k2, (N_VOCAB + 1, EMBED_DIM), dtype=jnp.float32) * 0.05
    return {"user_id": user_id, "table": table}

def reference(user_id, table):
    # Embedding lookup: gather rows of the table by index.
    return jnp.take(table, user_id, axis=0)

if __name__ == "__main__":
    import jax
    _d = setup_inputs()
    print(jax.jit(kernel)(*tuple(_d.values())))

</pallas_src>

<mosaic_0001>
#map = affine_map<(d0, d1) -> (0)>
#map1 = affine_map<(d0, d1) -> (0, 0)>
module attributes {stable_mosaic.version = 14 : i64} {
  func.func @_gather_body(%arg0: i32, %arg1: i32, %arg2: memref<16384xi32, #tpu.memory_space<hbm>>, %arg3: memref<32x1000001xf32, #tpu.memory_space<hbm>>, %arg4: memref<32x16384xf32, #tpu.memory_space<hbm>>, %arg5: memref<512xi32, #tpu.memory_space<vmem>>, %arg6: memref<32x128xf32, #tpu.memory_space<vmem>>, %arg7: memref<32x128xf32, #tpu.memory_space<vmem>>, %arg8: memref<32x128xf32, #tpu.memory_space<vmem>>, %arg9: memref<32x128xf32, #tpu.memory_space<vmem>>, %arg10: memref<32x128xf32, #tpu.memory_space<vmem>>, %arg11: memref<32x128xf32, #tpu.memory_space<vmem>>, %arg12: memref<32x128xf32, #tpu.memory_space<vmem>>, %arg13: memref<32x128xf32, #tpu.memory_space<vmem>>, %arg14: memref<32x512xf32, #tpu.memory_space<vmem>>, %arg15: memref<!tpu.dma_semaphore, #tpu.memory_space<semaphore_mem>>, %arg16: memref<!tpu.dma_semaphore, #tpu.memory_space<semaphore_mem>>, %arg17: memref<!tpu.dma_semaphore, #tpu.memory_space<semaphore_mem>>, %arg18: memref<!tpu.dma_semaphore, #tpu.memory_space<semaphore_mem>>, %arg19: memref<!tpu.dma_semaphore, #tpu.memory_space<semaphore_mem>>, %arg20: memref<!tpu.dma_semaphore, #tpu.memory_space<semaphore_mem>>, %arg21: memref<!tpu.dma_semaphore, #tpu.memory_space<semaphore_mem>>, %arg22: memref<!tpu.dma_semaphore, #tpu.memory_space<semaphore_mem>>) attributes {dimension_semantics = [#tpu.dimension_semantics<core_parallel>, #tpu.dimension_semantics<subcore_parallel>], iteration_bounds = array<i64: 2, 16>, scalar_prefetch = 0 : i64, scratch_operands = 18 : i64, tpu.core_type = #tpu.core_type<sc_vector_subcore>, window_params = [{transform_indices = #map}, {transform_indices = #map1}, {transform_indices = #map1}]} {
    %mul3A = arith.constant 2 : i32
    %mul3A_0 = arith.muli %arg1, %mul3A : i32
    %add3A = arith.addi %mul3A_0, %arg0 : i32
    %mul3A_1 = arith.constant 512 : i32
    %mul3A_2 = arith.muli %add3A, %mul3A_1 : i32
    "tpu.region"() ({
      %run_scoped3A = tpu.sem_alloc : memref<!tpu.dma_semaphore, #tpu.memory_space<semaphore_mem>>
      %dma_start3A_94 = tpu.memref_slice %arg2[%mul3A_2] : memref<16384xi32, #tpu.memory_space<hbm>> -> memref<512xi32, #tpu.memory_space<hbm>>
      %dma_start3A_95 = tpu.memref_slice %arg2[%mul3A_2] : memref<16384xi32, #tpu.memory_space<hbm>> -> memref<512xi32, #tpu.memory_space<hbm>>
      tpu.enqueue_dma source(%dma_start3A_95 : memref<512xi32, #tpu.memory_space<hbm>>) target(%arg5 : memref<512xi32, #tpu.memory_space<vmem>>) target_semaphore(%run_scoped3A : memref<!tpu.dma_semaphore, #tpu.memory_space<semaphore_mem>>)
      %dma_wait3A = tpu.memref_slice %arg2[%mul3A_2] : memref<16384xi32, #tpu.memory_space<hbm>> -> memref<512xi32, #tpu.memory_space<hbm>>
      %dma_wait3A_96 = tpu.memref_slice %arg2[%mul3A_2] : memref<16384xi32, #tpu.memory_space<hbm>> -> memref<512xi32, #tpu.memory_space<hbm>>
      tpu.wait_dma2 semaphore(%run_scoped3A : memref<!tpu.dma_semaphore, #tpu.memory_space<semaphore_mem>>) src(%dma_wait3A_96 : memref<512xi32, #tpu.memory_space<hbm>>) dst(%arg5 : memref<512xi32, #tpu.memory_space<vmem>>)
      tpu.yield
    }) : () -> ()
    %iota3A = tpu.iota {dimensions = array<i32: 0>} : vector<16xi32>
    %add3A_3 = arith.constant 16 : i32
    %add3A_4 = vector.broadcast %add3A_3 : i32 to vector<16xi32>
    %add3A_5 = arith.addi %iota3A, %add3A_4 : vector<16xi32>
    %get3A = arith.constant 0 : index
    %get3A_6 = tpu.vector_load %arg5[%get3A] {strides = array<i32>} : memref<512xi32, #tpu.memory_space<vmem>>, vector<16xi32>,
    %slice3A = vector.extract_strided_slice %get3A_6 {offsets = [0], sizes = [1], strides = [1]} : vector<16xi32> to vector<1xi32>
    %squeeze3A = vector.extract %slice3A[0] : i32 from vector<1xi32>
    %shift_right_arithmetic3A = arith.constant 7 : i32
    %shift_right_arithmetic3A_7 = arith.shrsi %squeeze3A, %shift_right_arithmetic3A : i32
    %shift_left3A = arith.constant 7 : i32
    %shift_left3A_8 = arith.shli %shift_right_arithmetic3A_7, %shift_left3A : i32
    %multiple_of3A = tpu.assume_multiple %shift_left3A_8, 128 : i32
    %dma_start3A = arith.constant 0 : i32
    %dma_start3A_9 = tpu.memref_slice %arg3[%dma_start3A, %multiple_of3A] : memref<32x1000001xf32, #tpu.memory_space<hbm>> -> memref<32x128xf32, #tpu.memory_space<hbm>>
    %dma_start3A_10 = arith.constant 0 : i32
    %dma_start3A_11 = tpu.memref_slice %arg3[%dma_start3A_10, %multiple_of3A] : memref<32x1000001xf32, #tpu.memory_space<hbm>> -> memref<32x128xf32, #tpu.memory_space<hbm>>
    tpu.enqueue_dma source(%dma_start3A_11 : memref<32x128xf32, #tpu.memory_space<hbm>>) target(%arg6 : memref<32x128xf32, #tpu.memory_space<vmem>>) target_semaphore(%arg15 : memref<!tpu.dma_semaphore, #tpu.memory_space<semaphore_mem>>)
    %slice3A_12 = vector.extract_strided_slice %get3A_6 {offsets = [1], sizes = [1], strides = [1]} : vector<16xi32> to vector<1xi32>
    %squeeze3A_13 = vector.extract %slice3A_12[0] : i32 from vector<1xi32>
    %shift_right_arithmetic3A_14 = arith.constant 7 : i32
    %shift_right_arithmetic3A_15 = arith.shrsi %squeeze3A_13, %shift_right_arithmetic3A_14 : i32
    %shift_left3A_16 = arith.constant 7 : i32
    %shift_left3A_17 = arith.shli %shift_right_arithmetic3A_15, %shift_left3A_16 : i32
    %multiple_of3A_18 = tpu.assume_multiple %shift_left3A_17, 128 : i32
    %dma_start3A_19 = arith.constant 0 : i32
    %dma_start3A_20 = tpu.memref_slice %arg3[%dma_start3A_19, %multiple_of3A_18] : memref<32x1000001xf32, #tpu.memory_space<hbm>> -> memref<32x128xf32, #tpu.memory_space<hbm>>
    %dma_start3A_21 = arith.constant 0 : i32
    %dma_start3A_22 = tpu.memref_slice %arg3[%dma_start3A_21, %multiple_of3A_18] : memref<32x1000001xf32, #tpu.memory_space<hbm>> -> memref<32x128xf32, #tpu.memory_space<hbm>>
    tpu.enqueue_dma source(%dma_start3A_22 : memref<32x128xf32, #tpu.memory_space<hbm>>) target(%arg7 : memref<32x128xf32, #tpu.memory_space<vmem>>) target_semaphore(%arg16 : memref<!tpu.dma_semaphore, #tpu.memory_space<semaphore_mem>>)
    %slice3A_23 = vector.extract_strided_slice %get3A_6 {offsets = [2], sizes = [1], strides = [1]} : vector<16xi32> to vector<1xi32>
    %squeeze3A_24 = vector.extract %slice3A_23[0] : i32 from vector<1xi32>
    %shift_right_arithmetic3A_25 = arith.constant 7 : i32
    %shift_right_arithmetic3A_26 = arith.shrsi %squeeze3A_24, %shift_right_arithmetic3A_25 : i32
    %shift_left3A_27 = arith.constant 7 : i32
    %shift_left3A_28 = arith.shli %shift_right_arithmetic3A_26, %shift_left3A_27 : i32
    %multiple_of3A_29 = tpu.assume_multiple %shift_left3A_28, 128 : i32
    %dma_start3A_30 = arith.constant 0 : i32
    %dma_start3A_31 = tpu.memref_slice %arg3[%dma_start3A_30, %multiple_of3A_29] : memref<32x1000001xf32, #tpu.memory_space<hbm>> -> memref<32x128xf32, #tpu.memory_space<hbm>>
    %dma_start3A_32 = arith.constant 0 : i32
    %dma_start3A_33 = tpu.memref_slice %arg3[%dma_start3A_32, %multiple_of3A_29] : memref<32x1000001xf32, #tpu.memory_space<hbm>> -> memref<32x128xf32, #tpu.memory_space<hbm>>
    tpu.enqueue_dma source(%dma_start3A_33 : memref<32x128xf32, #tpu.memory_space<hbm>>) target(%arg8 : memref<32x128xf32, #tpu.memory_space<vmem>>) target_semaphore(%arg17 : memref<!tpu.dma_semaphore, #tpu.memory_space<semaphore_mem>>)
    %slice3A_34 = vector.extract_strided_slice %get3A_6 {offsets = [3], sizes = [1], strides = [1]} : vector<16xi32> to vector<1xi32>
    %squeeze3A_35 = vector.extract %slice3A_34[0] : i32 from vector<1xi32>
    %shift_right_arithmetic3A_36 = arith.constant 7 : i32
    %shift_right_arithmetic3A_37 = arith.shrsi %squeeze3A_35, %shift_right_arithmetic3A_36 : i32
    %shift_left3A_38 = arith.constant 7 : i32
    %shift_left3A_39 = arith.shli %shift_right_arithmetic3A_37, %shift_left3A_38 : i32
    %multiple_of3A_40 = tpu.assume_multiple %shift_left3A_39, 128 : i32
    %dma_start3A_41 = arith.constant 0 : i32
    %dma_start3A_42 = tpu.memref_slice %arg3[%dma_start3A_41, %multiple_of3A_40] : memref<32x1000001xf32, #tpu.memory_space<hbm>> -> memref<32x128xf32, #tpu.memory_space<hbm>>
    %dma_start3A_43 = arith.constant 0 : i32
    %dma_start3A_44 = tpu.memref_slice %arg3[%dma_start3A_43, %multiple_of3A_40] : memref<32x1000001xf32, #tpu.memory_space<hbm>> -> memref<32x128xf32, #tpu.memory_space<hbm>>
    tpu.enqueue_dma source(%dma_start3A_44 : memref<32x128xf32, #tpu.memory_space<hbm>>) target(%arg9 : memref<32x128xf32, #tpu.memory_space<vmem>>) target_semaphore(%arg18 : memref<!tpu.dma_semaphore, #tpu.memory_space<semaphore_mem>>)
    %slice3A_45 = vector.extract_strided_slice %get3A_6 {offsets = [4], sizes = [1], strides = [1]} : vector<16xi32> to vector<1xi32>
    %squeeze3A_46 = vector.extract %slice3A_45[0] : i32 from vector<1xi32>
    %shift_right_arithmetic3A_47 = arith.constant 7 : i32
    %shift_right_arithmetic3A_48 = arith.shrsi %squeeze3A_46, %shift_right_arithmetic3A_47 : i32
    %shift_left3A_49 = arith.constant 7 : i32
    %shift_left3A_50 = arith.shli %shift_right_arithmetic3A_48, %shift_left3A_49 : i32
    %multiple_of3A_51 = tpu.assume_multiple %shift_left3A_50, 128 : i32
    %dma_start3A_52 = arith.constant 0 : i32
    %dma_start3A_53 = tpu.memref_slice %arg3[%dma_start3A_52, %multiple_of3A_51] : memref<32x1000001xf32, #tpu.memory_space<hbm>> -> memref<32x128xf32, #tpu.memory_space<hbm>>
    %dma_start3A_54 = arith.constant 0 : i32
    %dma_start3A_55 = tpu.memref_slice %arg3[%dma_start3A_54, %multiple_of3A_51] : memref<32x1000001xf32, #tpu.memory_space<hbm>> -> memref<32x128xf32, #tpu.memory_space<hbm>>
    tpu.enqueue_dma source(%dma_start3A_55 : memref<32x128xf32, #tpu.memory_space<hbm>>) target(%arg10 : memref<32x128xf32, #tpu.memory_space<vmem>>) target_semaphore(%arg19 : memref<!tpu.dma_semaphore, #tpu.memory_space<semaphore_mem>>)
    %slice3A_56 = vector.extract_strided_slice %get3A_6 {offsets = [5], sizes = [1], strides = [1]} : vector<16xi32> to vector<1xi32>
    %squeeze3A_57 = vector.extract %slice3A_56[0] : i32 from vector<1xi32>
    %shift_right_arithmetic3A_58 = arith.constant 7 : i32
    %shift_right_arithmetic3A_59 = arith.shrsi %squeeze3A_57, %shift_right_arithmetic3A_58 : i32
    %shift_left3A_60 = arith.constant 7 : i32
    %shift_left3A_61 = arith.shli %shift_right_arithmetic3A_59, %shift_left3A_60 : i32
    %multiple_of3A_62 = tpu.assume_multiple %shift_left3A_61, 128 : i32
    %dma_start3A_63 = arith.constant 0 : i32
    %dma_start3A_64 = tpu.memref_slice %arg3[%dma_start3A_63, %multiple_of3A_62] : memref<32x1000001xf32, #tpu.memory_space<hbm>> -> memref<32x128xf32, #tpu.memory_space<hbm>>
    %dma_start3A_65 = arith.constant 0 : i32
    %dma_start3A_66 = tpu.memref_slice %arg3[%dma_start3A_65, %multiple_of3A_62] : memref<32x1000001xf32, #tpu.memory_space<hbm>> -> memref<32x128xf32, #tpu.memory_space<hbm>>
    tpu.enqueue_dma source(%dma_start3A_66 : memref<32x128xf32, #tpu.memory_space<hbm>>) target(%arg11 : memref<32x128xf32, #tpu.memory_space<vmem>>) target_semaphore(%arg20 : memref<!tpu.dma_semaphore, #tpu.memory_space<semaphore_mem>>)
    %slice3A_67 = vector.extract_strided_slice %get3A_6 {offsets = [6], sizes = [1], strides = [1]} : vector<16xi32> to vector<1xi32>
    %squeeze3A_68 = vector.extract %slice3A_67[0] : i32 from vector<1xi32>
    %shift_right_arithmetic3A_69 = arith.constant 7 : i32
    %shift_right_arithmetic3A_70 = arith.shrsi %squeeze3A_68, %shift_right_arithmetic3A_69 : i32
    %shift_left3A_71 = arith.constant 7 : i32
    %shift_left3A_72 = arith.shli %shift_right_arithmetic3A_70, %shift_left3A_71 : i32
    %multiple_of3A_73 = tpu.assume_multiple %shift_left3A_72, 128 : i32
    %dma_start3A_74 = arith.constant 0 : i32
    %dma_start3A_75 = tpu.memref_slice %arg3[%dma_start3A_74, %multiple_of3A_73] : memref<32x1000001xf32, #tpu.memory_space<hbm>> -> memref<32x128xf32, #tpu.memory_space<hbm>>
    %dma_start3A_76 = arith.constant 0 : i32
    %dma_start3A_77 = tpu.memref_slice %arg3[%dma_start3A_76, %multiple_of3A_73] : memref<32x1000001xf32, #tpu.memory_space<hbm>> -> memref<32x128xf32, #tpu.memory_space<hbm>>
    tpu.enqueue_dma source(%dma_start3A_77 : memref<32x128xf32, #tpu.memory_space<hbm>>) target(%arg12 : memref<32x128xf32, #tpu.memory_space<vmem>>) target_semaphore(%arg21 : memref<!tpu.dma_semaphore, #tpu.memory_space<semaphore_mem>>)
    %slice3A_78 = vector.extract_strided_slice %get3A_6 {offsets = [7], sizes = [1], strides = [1]} : vector<16xi32> to vector<1xi32>
    %squeeze3A_79 = vector.extract %slice3A_78[0] : i32 from vector<1xi32>
    %shift_right_arithmetic3A_80 = arith.constant 7 : i32
    %shift_right_arithmetic3A_81 = arith.shrsi %squeeze3A_79, %shift_right_arithmetic3A_80 : i32
    %shift_left3A_82 = arith.constant 7 : i32
    %shift_left3A_83 = arith.shli %shift_right_arithmetic3A_81, %shift_left3A_82 : i32
    %multiple_of3A_84 = tpu.assume_multiple %shift_left3A_83, 128 : i32
    %dma_start3A_85 = arith.constant 0 : i32
    %dma_start3A_86 = tpu.memref_slice %arg3[%dma_start3A_85, %multiple_of3A_84] : memref<32x1000001xf32, #tpu.memory_space<hbm>> -> memref<32x128xf32, #tpu.memory_space<hbm>>
    %dma_start3A_87 = arith.constant 0 : i32
    %dma_start3A_88 = tpu.memref_slice %arg3[%dma_start3A_87, %multiple_of3A_84] : memref<32x1000001xf32, #tpu.memory_space<hbm>> -> memref<32x128xf32, #tpu.memory_space<hbm>>
    tpu.enqueue_dma source(%dma_start3A_88 : memref<32x128xf32, #tpu.memory_space<hbm>>) target(%arg13 : memref<32x128xf32, #tpu.memory_space<vmem>>) target_semaphore(%arg22 : memref<!tpu.dma_semaphore, #tpu.memory_space<semaphore_mem>>)
    %scan3A = arith.constant 0 : i32
    %scan3A_89 = arith.constant 32 : i32
    %scan3A_90 = arith.addi %scan3A, %scan3A_89 : i32
    %scan3A_91 = arith.constant 1 : i32
    %scan3A_92 = scf.for %scan3A_94 = %scan3A to %scan3A_90 step %scan3A_91 iter_args(%scan3A_95 = %get3A_6) -> (vector<16xi32>)  : i32 {
      %add3A_96 = arith.constant 1 : i32
      %add3A_97 = arith.addi %scan3A_94, %add3A_96 : i32
      %min3A = arith.constant 31 : i32
      %min3A_98 = arith.minsi %add3A_97, %min3A : i32
      %mul3A_99 = arith.constant 16 : i32
      %mul3A_100 = arith.muli %min3A_98, %mul3A_99 : i32
      %get3A_101 = arith.index_cast %mul3A_100 : i32 to index
      %get3A_102 = tpu.vector_load %arg5[%get3A_101] {strides = array<i32>} : memref<512xi32, #tpu.memory_space<vmem>>, vector<16xi32>,
      %mul3A_103 = arith.constant 16 : i32
      %mul3A_104 = arith.muli %scan3A_94, %mul3A_103 : i32
      %add3A_105 = arith.constant 0 : i32
      %add3A_106 = arith.addi %mul3A_104, %add3A_105 : i32
      %dma_wait3A = arith.constant 0 : i32
      %dma_wait3A_107 = arith.constant 0 : i32
      %dma_wait3A_108 = tpu.memref_slice %arg3[%dma_wait3A, %dma_wait3A_107] : memref<32x1000001xf32, #tpu.memory_space<hbm>> -> memref<32x128xf32, #tpu.memory_space<hbm>>
      %dma_wait3A_109 = arith.constant 0 : i32
      %dma_wait3A_110 = arith.constant 0 : i32
      %dma_wait3A_111 = tpu.memref_slice %arg3[%dma_wait3A_109, %dma_wait3A_110] : memref<32x1000001xf32, #tpu.memory_space<hbm>> -> memref<32x128xf32, #tpu.memory_space<hbm>>
      tpu.wait_dma2 semaphore(%arg15 : memref<!tpu.dma_semaphore, #tpu.memory_space<semaphore_mem>>) src(%dma_wait3A_111 : memref<32x128xf32, #tpu.memory_space<hbm>>) dst(%arg6 : memref<32x128xf32, #tpu.memory_space<vmem>>)
      %slice3A_112 = vector.extract_strided_slice %scan3A_95 {offsets = [0], sizes = [1], strides = [1]} : vector<16xi32> to vector<1xi32>
      %squeeze3A_113 = vector.extract %slice3A_112[0] : i32 from vector<1xi32>
      %and3A = arith.constant 127 : i32
      %and3A_114 = arith.andi %squeeze3A_113, %and3A : i32
      %broadcast_in_dim3A = vector.broadcast %and3A_114 : i32 to vector<16xi32>
      %broadcast_in_dim3A_115 = vector.broadcast %add3A_106 : i32 to vector<16xi32>
      %gather3A = tpu.vector_load_idx %arg6[%iota3A, %broadcast_in_dim3A] : memref<32x128xf32, #tpu.memory_space<vmem>>[vector<16xi32>, vector<16xi32>], vector<16xf32>,
      %gather3A_116 = tpu.vector_load_idx %arg6[%add3A_5, %broadcast_in_dim3A] : memref<32x128xf32, #tpu.memory_space<vmem>>[vector<16xi32>, vector<16xi32>], vector<16xf32>,
      tpu.vector_store_idx %arg14[%iota3A, %broadcast_in_dim3A_115], %gather3A : memref<32x512xf32, #tpu.memory_space<vmem>>[vector<16xi32>, vector<16xi32>], vector<16xf32>,
      tpu.vector_store_idx %arg14[%add3A_5, %broadcast_in_dim3A_115], %gather3A_116 : memref<32x512xf32, #tpu.memory_space<vmem>>[vector<16xi32>, vector<16xi32>], vector<16xf32>,
      %slice3A_117 = vector.extract_strided_slice %scan3A_95 {offsets = [8], sizes = [1], strides = [1]} : vector<16xi32> to vector<1xi32>
      %squeeze3A_118 = vector.extract %slice3A_117[0] : i32 from vector<1xi32>
      %shift_right_arithmetic3A_119 = arith.constant 7 : i32
      %shift_right_arithmetic3A_120 = arith.shrsi %squeeze3A_118, %shift_right_arithmetic3A_119 : i32
      %shift_left3A_121 = arith.constant 7 : i32
      %shift_left3A_122 = arith.shli %shift_right_arithmetic3A_120, %shift_left3A_121 : i32
      %multiple_of3A_123 = tpu.assume_multiple %shift_left3A_122, 128 : i32
      %dma_start3A_124 = arith.constant 0 : i32
      %dma_start3A_125 = tpu.memref_slice %arg3[%dma_start3A_124, %multiple_of3A_123] : memref<32x1000001xf32, #tpu.memory_space<hbm>> -> memref<32x128xf32, #tpu.memory_space<hbm>>
      %dma_start3A_126 = arith.constant 0 : i32
      %dma_start3A_127 = tpu.memref_slice %arg3[%dma_start3A_126, %multiple_of3A_123] : memref<32x1000001xf32, #tpu.memory_space<hbm>> -> memref<32x128xf32, #tpu.memory_space<hbm>>
      tpu.enqueue_dma source(%dma_start3A_127 : memref<32x128xf32, #tpu.memory_space<hbm>>) target(%arg6 : memref<32x128xf32, #tpu.memory_space<vmem>>) target_semaphore(%arg15 : memref<!tpu.dma_semaphore, #tpu.memory_space<semaphore_mem>>)
      %mul3A_128 = arith.constant 16 : i32
      %mul3A_129 = arith.muli %scan3A_94, %mul3A_128 : i32
      %add3A_130 = arith.constant 1 : i32
      %add3A_131 = arith.addi %mul3A_129, %add3A_130 : i32
      %dma_wait3A_132 = arith.constant 0 : i32
      %dma_wait3A_133 = arith.constant 0 : i32
      %dma_wait3A_134 = tpu.memref_slice %arg3[%dma_wait3A_132, %dma_wait3A_133] : memref<32x1000001xf32, #tpu.memory_space<hbm>> -> memref<32x128xf32, #tpu.memory_space<hbm>>
      %dma_wait3A_135 = arith.constant 0 : i32
      %dma_wait3A_136 = arith.constant 0 : i32
      %dma_wait3A_137 = tpu.memref_slice %arg3[%dma_wait3A_135, %dma_wait3A_136] : memref<32x1000001xf32, #tpu.memory_space<hbm>> -> memref<32x128xf32, #tpu.memory_space<hbm>>
      tpu.wait_dma2 semaphore(%arg16 : memref<!tpu.dma_semaphore, #tpu.memory_space<semaphore_mem>>) src(%dma_wait3A_137 : memref<32x128xf32, #tpu.memory_space<hbm>>) dst(%arg7 : memref<32x128xf32, #tpu.memory_space<vmem>>)
      %slice3A_138 = vector.extract_strided_slice %scan3A_95 {offsets = [1], sizes = [1], strides = [1]} : vector<16xi32> to vector<1xi32>
      %squeeze3A_139 = vector.extract %slice3A_138[0] : i32 from vector<1xi32>
      %and3A_140 = arith.constant 127 : i32
      %and3A_141 = arith.andi %squeeze3A_139, %and3A_140 : i32
      %broadcast_in_dim3A_142 = vector.broadcast %and3A_141 : i32 to vector<16xi32>
      %broadcast_in_dim3A_143 = vector.broadcast %add3A_131 : i32 to vector<16xi32>
      %gather3A_144 = tpu.vector_load_idx %arg7[%iota3A, %broadcast_in_dim3A_142] : memref<32x128xf32, #tpu.memory_space<vmem>>[vector<16xi32>, vector<16xi32>], vector<16xf32>,
      %gather3A_145 = tpu.vector_load_idx %arg7[%add3A_5, %broadcast_in_dim3A_142] : memref<32x128xf32, #tpu.memory_space<vmem>>[vector<16xi32>, vector<16xi32>], vector<16xf32>,
      tpu.vector_store_idx %arg14[%iota3A, %broadcast_in_dim3A_143], %gather3A_144 : memref<32x512xf32, #tpu.memory_space<vmem>>[vector<16xi32>, vector<16xi32>], vector<16xf32>,
      tpu.vector_store_idx %arg14[%add3A_5, %broadcast_in_dim3A_143], %gather3A_145 : memref<32x512xf32, #tpu.memory_space<vmem>>[vector<16xi32>, vector<16xi32>], vector<16xf32>,
      %slice3A_146 = vector.extract_strided_slice %scan3A_95 {offsets = [9], sizes = [1], strides = [1]} : vector<16xi32> to vector<1xi32>
      %squeeze3A_147 = vector.extract %slice3A_146[0] : i32 from vector<1xi32>
      %shift_right_arithmetic3A_148 = arith.constant 7 : i32
      %shift_right_arithmetic3A_149 = arith.shrsi %squeeze3A_147, %shift_right_arithmetic3A_148 : i32
      %shift_left3A_150 = arith.constant 7 : i32
      %shift_left3A_151 = arith.shli %shift_right_arithmetic3A_149, %shift_left3A_150 : i32
      %multiple_of3A_152 = tpu.assume_multiple %shift_left3A_151, 128 : i32
      %dma_start3A_153 = arith.constant 0 : i32
      %dma_start3A_154 = tpu.memref_slice %arg3[%dma_start3A_153, %multiple_of3A_152] : memref<32x1000001xf32, #tpu.memory_space<hbm>> -> memref<32x128xf32, #tpu.memory_space<hbm>>
      %dma_start3A_155 = arith.constant 0 : i32
      %dma_start3A_156 = tpu.memref_slice %arg3[%dma_start3A_155, %multiple_of3A_152] : memref<32x1000001xf32, #tpu.memory_space<hbm>> -> memref<32x128xf32, #tpu.memory_space<hbm>>
      tpu.enqueue_dma source(%dma_start3A_156 : memref<32x128xf32, #tpu.memory_space<hbm>>) target(%arg7 : memref<32x128xf32, #tpu.memory_space<vmem>>) target_semaphore(%arg16 : memref<!tpu.dma_semaphore, #tpu.memory_space<semaphore_mem>>)
      %mul3A_157 = arith.constant 16 : i32
      %mul3A_158 = arith.muli %scan3A_94, %mul3A_157 : i32
      %add3A_159 = arith.constant 2 : i32
      %add3A_160 = arith.addi %mul3A_158, %add3A_159 : i32
      %dma_wait3A_161 = arith.constant 0 : i32
      %dma_wait3A_162 = arith.constant 0 : i32
      %dma_wait3A_163 = tpu.memref_slice %arg3[%dma_wait3A_161, %dma_wait3A_162] : memref<32x1000001xf32, #tpu.memory_space<hbm>> -> memref<32x128xf32, #tpu.memory_space<hbm>>
      %dma_wait3A_164 = arith.constant 0 : i32
      %dma_wait3A_165 = arith.constant 0 : i32
      %dma_wait3A_166 = tpu.memref_slice %arg3[%dma_wait3A_164, %dma_wait3A_165] : memref<32x1000001xf32, #tpu.memory_space<hbm>> -> memref<32x128xf32, #tpu.memory_space<hbm>>
      tpu.wait_dma2 semaphore(%arg17 : memref<!tpu.dma_semaphore, #tpu.memory_space<semaphore_mem>>) src(%dma_wait3A_166 : memref<32x128xf32, #tpu.memory_space<hbm>>) dst(%arg8 : memref<32x128xf32, #tpu.memory_space<vmem>>)
      %slice3A_167 = vector.extract_strided_slice %scan3A_95 {offsets = [2], sizes = [1], strides = [1]} : vector<16xi32> to vector<1xi32>
      %squeeze3A_168 = vector.extract %slice3A_167[0] : i32 from vector<1xi32>
      %and3A_169 = arith.constant 127 : i32
      %and3A_170 = arith.andi %squeeze3A_168, %and3A_169 : i32
      %broadcast_in_dim3A_171 = vector.broadcast %and3A_170 : i32 to vector<16xi32>
      %broadcast_in_dim3A_172 = vector.broadcast %add3A_160 : i32 to vector<16xi32>
      %gather3A_173 = tpu.vector_load_idx %arg8[%iota3A, %broadcast_in_dim3A_171] : memref<32x128xf32, #tpu.memory_space<vmem>>[vector<16xi32>, vector<16xi32>], vector<16xf32>,
      %gather3A_174 = tpu.vector_load_idx %arg8[%add3A_5, %broadcast_in_dim3A_171] : memref<32x128xf32, #tpu.memory_space<vmem>>[vector<16xi32>, vector<16xi32>], vector<16xf32>,
      tpu.vector_store_idx %arg14[%iota3A, %broadcast_in_dim3A_172], %gather3A_173 : memref<32x512xf32, #tpu.memory_space<vmem>>[vector<16xi32>, vector<16xi32>], vector<16xf32>,
      tpu.vector_store_idx %arg14[%add3A_5, %broadcast_in_dim3A_172], %gather3A_174 : memref<32x512xf32, #tpu.memory_space<vmem>>[vector<16xi32>, vector<16xi32>], vector<16xf32>,
      %slice3A_175 = vector.extract_strided_slice %scan3A_95 {offsets = [10], sizes = [1], strides = [1]} : vector<16xi32> to vector<1xi32>
      %squeeze3A_176 = vector.extract %slice3A_175[0] : i32 from vector<1xi32>
      %shift_right_arithmetic3A_177 = arith.constant 7 : i32
      %shift_right_arithmetic3A_178 = arith.shrsi %squeeze3A_176, %shift_right_arithmetic3A_177 : i32
      %shift_left3A_179 = arith.constant 7 : i32
      %shift_left3A_180 = arith.shli %shift_right_arithmetic3A_178, %shift_left3A_179 : i32
      %multiple_of3A_181 = tpu.assume_multiple %shift_left3A_180, 128 : i32
      %dma_start3A_182 = arith.constant 0 : i32
      %dma_start3A_183 = tpu.memref_slice %arg3[%dma_start3A_182, %multiple_of3A_181] : memref<32x1000001xf32, #tpu.memory_space<hbm>> -> memref<32x128xf32, #tpu.memory_space<hbm>>
      %dma_start3A_184 = arith.constant 0 : i32
      %dma_start3A_185 = tpu.memref_slice %arg3[%dma_start3A_184, %multiple_of3A_181] : memref<32x1000001xf32, #tpu.memory_space<hbm>> -> memref<32x128xf32, #tpu.memory_space<hbm>>
      tpu.enqueue_dma source(%dma_start3A_185 : memref<32x128xf32, #tpu.memory_space<hbm>>) target(%arg8 : memref<32x128xf32, #tpu.memory_space<vmem>>) target_semaphore(%arg17 : memref<!tpu.dma_semaphore, #tpu.memory_space<semaphore_mem>>)
      %mul3A_186 = arith.constant 16 : i32
      %mul3A_187 = arith.muli %scan3A_94, %mul3A_186 : i32
      %add3A_188 = arith.constant 3 : i32
      %add3A_189 = arith.addi %mul3A_187, %add3A_188 : i32
      %dma_wait3A_190 = arith.constant 0 : i32
      %dma_wait3A_191 = arith.constant 0 : i32
      %dma_wait3A_192 = tpu.memref_slice %arg3[%dma_wait3A_190, %dma_wait3A_191] : memref<32x1000001xf32, #tpu.memory_space<hbm>> -> memref<32x128xf32, #tpu.memory_space<hbm>>
      %dma_wait3A_193 = arith.constant 0 : i32
      %dma_wait3A_194 = arith.constant 0 : i32
      %dma_wait3A_195 = tpu.memref_slice %arg3[%dma_wait3A_193, %dma_wait3A_194] : memref<32x1000001xf32, #tpu.memory_space<hbm>> -> memref<32x128xf32, #tpu.memory_space<hbm>>
      tpu.wait_dma2 semaphore(%arg18 : memref<!tpu.dma_semaphore, #tpu.memory_space<semaphore_mem>>) src(%dma_wait3A_195 : memref<32x128xf32, #tpu.memory_space<hbm>>) dst(%arg9 : memref<32x128xf32, #tpu.memory_space<vmem>>)
      %slice3A_196 = vector.extract_strided_slice %scan3A_95 {offsets = [3], sizes = [1], strides = [1]} : vector<16xi32> to vector<1xi32>
      %squeeze3A_197 = vector.extract %slice3A_196[0] : i32 from vector<1xi32>
      %and3A_198 = arith.constant 127 : i32
      %and3A_199 = arith.andi %squeeze3A_197, %and3A_198 : i32
      %broadcast_in_dim3A_200 = vector.broadcast %and3A_199 : i32 to vector<16xi32>
      %broadcast_in_dim3A_201 = vector.broadcast %add3A_189 : i32 to vector<16xi32>
      %gather3A_202 = tpu.vector_load_idx %arg9[%iota3A, %broadcast_in_dim3A_200] : memref<32x128xf32, #tpu.memory_space<vmem>>[vector<16xi32>, vector<16xi32>], vector<16xf32>,
      %gather3A_203 = tpu.vector_load_idx %arg9[%add3A_5, %broadcast_in_dim3A_200] : memref<32x128xf32, #tpu.memory_space<vmem>>[vector<16xi32>, vector<16xi32>], vector<16xf32>,
      tpu.vector_store_idx %arg14[%iota3A, %broadcast_in_dim3A_201], %gather3A_202 : memref<32x512xf32, #tpu.memory_space<vmem>>[vector<16xi32>, vector<16xi32>], vector<16xf32>,
      tpu.vector_store_idx %arg14[%add3A_5, %broadcast_in_dim3A_201], %gather3A_203 : memref<32x512xf32, #tpu.memory_space<vmem>>[vector<16xi32>, vector<16xi32>], vector<16xf32>,
      %slice3A_204 = vector.extract_strided_slice %scan3A_95 {offsets = [11], sizes = [1], strides = [1]} : vector<16xi32> to vector<1xi32>
      %squeeze3A_205 = vector.extract %slice3A_204[0] : i32 from vector<1xi32>
      %shift_right_arithmetic3A_206 = arith.constant 7 : i32
      %shift_right_arithmetic3A_207 = arith.shrsi %squeeze3A_205, %shift_right_arithmetic3A_206 : i32
      %shift_left3A_208 = arith.constant 7 : i32
      %shift_left3A_209 = arith.shli %shift_right_arithmetic3A_207, %shift_left3A_208 : i32
      %multiple_of3A_210 = tpu.assume_multiple %shift_left3A_209, 128 : i32
      %dma_start3A_211 = arith.constant 0 : i32
      %dma_start3A_212 = tpu.memref_slice %arg3[%dma_start3A_211, %multiple_of3A_210] : memref<32x1000001xf32, #tpu.memory_space<hbm>> -> memref<32x128xf32, #tpu.memory_space<hbm>>
      %dma_start3A_213 = arith.constant 0 : i32
      %dma_start3A_214 = tpu.memref_slice %arg3[%dma_start3A_213, %multiple_of3A_210] : memref<32x1000001xf32, #tpu.memory_space<hbm>> -> memref<32x128xf32, #tpu.memory_space<hbm>>
      tpu.enqueue_dma source(%dma_start3A_214 : memref<32x128xf32, #tpu.memory_space<hbm>>) target(%arg9 : memref<32x128xf32, #tpu.memory_space<vmem>>) target_semaphore(%arg18 : memref<!tpu.dma_semaphore, #tpu.memory_space<semaphore_mem>>)
      %mul3A_215 = arith.constant 16 : i32
      %mul3A_216 = arith.muli %scan3A_94, %mul3A_215 : i32
      %add3A_217 = arith.constant 4 : i32
      %add3A_218 = arith.addi %mul3A_216, %add3A_217 : i32
      %dma_wait3A_219 = arith.constant 0 : i32
      %dma_wait3A_220 = arith.constant 0 : i32
      %dma_wait3A_221 = tpu.memref_slice %arg3[%dma_wait3A_219, %dma_wait3A_220] : memref<32x1000001xf32, #tpu.memory_space<hbm>> -> memref<32x128xf32, #tpu.memory_space<hbm>>
      %dma_wait3A_222 = arith.constant 0 : i32
      %dma_wait3A_223 = arith.constant 0 : i32
      %dma_wait3A_224 = tpu.memref_slice %arg3[%dma_wait3A_222, %dma_wait3A_223] : memref<32x1000001xf32, #tpu.memory_space<hbm>> -> memref<32x128xf32, #tpu.memory_space<hbm>>
      tpu.wait_dma2 semaphore(%arg19 : memref<!tpu.dma_semaphore, #tpu.memory_space<semaphore_mem>>) src(%dma_wait3A_224 : memref<32x128xf32, #tpu.memory_space<hbm>>) dst(%arg10 : memref<32x128xf32, #tpu.memory_space<vmem>>)
      %slice3A_225 = vector.extract_strided_slice %scan3A_95 {offsets = [4], sizes = [1], strides = [1]} : vector<16xi32> to vector<1xi32>
      %squeeze3A_226 = vector.extract %slice3A_225[0] : i32 from vector<1xi32>
      %and3A_227 = arith.constant 127 : i32
      %and3A_228 = arith.andi %squeeze3A_226, %and3A_227 : i32
      %broadcast_in_dim3A_229 = vector.broadcast %and3A_228 : i32 to vector<16xi32>
      %broadcast_in_dim3A_230 = vector.broadcast %add3A_218 : i32 to vector<16xi32>
      %gather3A_231 = tpu.vector_load_idx %arg10[%iota3A, %broadcast_in_dim3A_229] : memref<32x128xf32, #tpu.memory_space<vmem>>[vector<16xi32>, vector<16xi32>], vector<16xf32>,
      %gather3A_232 = tpu.vector_load_idx %arg10[%add3A_5, %broadcast_in_dim3A_229] : memref<32x128xf32, #tpu.memory_space<vmem>>[vector<16xi32>, vector<16xi32>], vector<16xf32>,
      tpu.vector_store_idx %arg14[%iota3A, %broadcast_in_dim3A_230], %gather3A_231 : memref<32x512xf32, #tpu.memory_space<vmem>>[vector<16xi32>, vector<16xi32>], vector<16xf32>,
      tpu.vector_store_idx %arg14[%add3A_5, %broadcast_in_dim3A_230], %gather3A_232 : memref<32x512xf32, #tpu.memory_space<vmem>>[vector<16xi32>, vector<16xi32>], vector<16xf32>,
      %slice3A_233 = vector.extract_strided_slice %scan3A_95 {offsets = [12], sizes = [1], strides = [1]} : vector<16xi32> to vector<1xi32>
      %squeeze3A_234 = vector.extract %slice3A_233[0] : i32 from vector<1xi32>
      %shift_right_arithmetic3A_235 = arith.constant 7 : i32
      %shift_right_arithmetic3A_236 = arith.shrsi %squeeze3A_234, %shift_right_arithmetic3A_235 : i32
      %shift_left3A_237 = arith.constant 7 : i32
      %shift_left3A_238 = arith.shli %shift_right_arithmetic3A_236, %shift_left3A_237 : i32
      %multiple_of3A_239 = tpu.assume_multiple %shift_left3A_238, 128 : i32
      %dma_start3A_240 = arith.constant 0 : i32
      %dma_start3A_241 = tpu.memref_slice %arg3[%dma_start3A_240, %multiple_of3A_239] : memref<32x1000001xf32, #tpu.memory_space<hbm>> -> memref<32x128xf32, #tpu.memory_space<hbm>>
      %dma_start3A_242 = arith.constant 0 : i32
      %dma_start3A_243 = tpu.memref_slice %arg3[%dma_start3A_242, %multiple_of3A_239] : memref<32x1000001xf32, #tpu.memory_space<hbm>> -> memref<32x128xf32, #tpu.memory_space<hbm>>
      tpu.enqueue_dma source(%dma_start3A_243 : memref<32x128xf32, #tpu.memory_space<hbm>>) target(%arg10 : memref<32x128xf32, #tpu.memory_space<vmem>>) target_semaphore(%arg19 : memref<!tpu.dma_semaphore, #tpu.memory_space<semaphore_mem>>)
      %mul3A_244 = arith.constant 16 : i32
      %mul3A_245 = arith.muli %scan3A_94, %mul3A_244 : i32
      %add3A_246 = arith.constant 5 : i32
      %add3A_247 = arith.addi %mul3A_245, %add3A_246 : i32
      %dma_wait3A_248 = arith.constant 0 : i32
      %dma_wait3A_249 = arith.constant 0 : i32
      %dma_wait3A_250 = tpu.memref_slice %arg3[%dma_wait3A_248, %dma_wait3A_249] : memref<32x1000001xf32, #tpu.memory_space<hbm>> -> memref<32x128xf32, #tpu.memory_space<hbm>>
      %dma_wait3A_251 = arith.constant 0 : i32
      %dma_wait3A_252 = arith.constant 0 : i32
      %dma_wait3A_253 = tpu.memref_slice %arg3[%dma_wait3A_251, %dma_wait3A_252] : memref<32x1000001xf32, #tpu.memory_space<hbm>> -> memref<32x128xf32, #tpu.memory_space<hbm>>
      tpu.wait_dma2 semaphore(%arg20 : memref<!tpu.dma_semaphore, #tpu.memory_space<semaphore_mem>>) src(%dma_wait3A_253 : memref<32x128xf32, #tpu.memory_space<hbm>>) dst(%arg11 : memref<32x128xf32, #tpu.memory_space<vmem>>)
      %slice3A_254 = vector.extract_strided_slice %scan3A_95 {offsets = [5], sizes = [1], strides = [1]} : vector<16xi32> to vector<1xi32>
      %squeeze3A_255 = vector.extract %slice3A_254[0] : i32 from vector<1xi32>
      %and3A_256 = arith.constant 127 : i32
      %and3A_257 = arith.andi %squeeze3A_255, %and3A_256 : i32
      %broadcast_in_dim3A_258 = vector.broadcast %and3A_257 : i32 to vector<16xi32>
      %broadcast_in_dim3A_259 = vector.broadcast %add3A_247 : i32 to vector<16xi32>
      %gather3A_260 = tpu.vector_load_idx %arg11[%iota3A, %broadcast_in_dim3A_258] : memref<32x128xf32, #tpu.memory_space<vmem>>[vector<16xi32>, vector<16xi32>], vector<16xf32>,
      %gather3A_261 = tpu.vector_load_idx %arg11[%add3A_5, %broadcast_in_dim3A_258] : memref<32x128xf32, #tpu.memory_space<vmem>>[vector<16xi32>, vector<16xi32>], vector<16xf32>,
      tpu.vector_store_idx %arg14[%iota3A, %broadcast_in_dim3A_259], %gather3A_260 : memref<32x512xf32, #tpu.memory_space<vmem>>[vector<16xi32>, vector<16xi32>], vector<16xf32>,
      tpu.vector_store_idx %arg14[%add3A_5, %broadcast_in_dim3A_259], %gather3A_261 : memref<32x512xf32, #tpu.memory_space<vmem>>[vector<16xi32>, vector<16xi32>], vector<16xf32>,
      %slice3A_262 = vector.extract_strided_slice %scan3A_95 {offsets = [13], sizes = [1], strides = [1]} : vector<16xi32> to vector<1xi32>
      %squeeze3A_263 = vector.extract %slice3A_262[0] : i32 from vector<1xi32>
      %shift_right_arithmetic3A_264 = arith.constant 7 : i32
      %shift_right_arithmetic3A_265 = arith.shrsi %squeeze3A_263, %shift_right_arithmetic3A_264 : i32
      %shift_left3A_266 = arith.constant 7 : i32
      %shift_left3A_267 = arith.shli %shift_right_arithmetic3A_265, %shift_left3A_266 : i32
      %multiple_of3A_268 = tpu.assume_multiple %shift_left3A_267, 128 : i32
      %dma_start3A_269 = arith.constant 0 : i32
      %dma_start3A_270 = tpu.memref_slice %arg3[%dma_start3A_269, %multiple_of3A_268] : memref<32x1000001xf32, #tpu.memory_space<hbm>> -> memref<32x128xf32, #tpu.memory_space<hbm>>
      %dma_start3A_271 = arith.constant 0 : i32
      %dma_start3A_272 = tpu.memref_slice %arg3[%dma_start3A_271, %multiple_of3A_268] : memref<32x1000001xf32, #tpu.memory_space<hbm>> -> memref<32x128xf32, #tpu.memory_space<hbm>>
      tpu.enqueue_dma source(%dma_start3A_272 : memref<32x128xf32, #tpu.memory_space<hbm>>) target(%arg11 : memref<32x128xf32, #tpu.memory_space<vmem>>) target_semaphore(%arg20 : memref<!tpu.dma_semaphore, #tpu.memory_space<semaphore_mem>>)
      %mul3A_273 = arith.constant 16 : i32
      %mul3A_274 = arith.muli %scan3A_94, %mul3A_273 : i32
      %add3A_275 = arith.constant 6 : i32
      %add3A_276 = arith.addi %mul3A_274, %add3A_275 : i32
      %dma_wait3A_277 = arith.constant 0 : i32
      %dma_wait3A_278 = arith.constant 0 : i32
      %dma_wait3A_279 = tpu.memref_slice %arg3[%dma_wait3A_277, %dma_wait3A_278] : memref<32x1000001xf32, #tpu.memory_space<hbm>> -> memref<32x128xf32, #tpu.memory_space<hbm>>
      %dma_wait3A_280 = arith.constant 0 : i32
      %dma_wait3A_281 = arith.constant 0 : i32
      %dma_wait3A_282 = tpu.memref_slice %arg3[%dma_wait3A_280, %dma_wait3A_281] : memref<32x1000001xf32, #tpu.memory_space<hbm>> -> memref<32x128xf32, #tpu.memory_space<hbm>>
      tpu.wait_dma2 semaphore(%arg21 : memref<!tpu.dma_semaphore, #tpu.memory_space<semaphore_mem>>) src(%dma_wait3A_282 : memref<32x128xf32, #tpu.memory_space<hbm>>) dst(%arg12 : memref<32x128xf32, #tpu.memory_space<vmem>>)
      %slice3A_283 = vector.extract_strided_slice %scan3A_95 {offsets = [6], sizes = [1], strides = [1]} : vector<16xi32> to vector<1xi32>
      %squeeze3A_284 = vector.extract %slice3A_283[0] : i32 from vector<1xi32>
      %and3A_285 = arith.constant 127 : i32
      %and3A_286 = arith.andi %squeeze3A_284, %and3A_285 : i32
      %broadcast_in_dim3A_287 = vector.broadcast %and3A_286 : i32 to vector<16xi32>
      %broadcast_in_dim3A_288 = vector.broadcast %add3A_276 : i32 to vector<16xi32>
      %gather3A_289 = tpu.vector_load_idx %arg12[%iota3A, %broadcast_in_dim3A_287] : memref<32x128xf32, #tpu.memory_space<vmem>>[vector<16xi32>, vector<16xi32>], vector<16xf32>,
      %gather3A_290 = tpu.vector_load_idx %arg12[%add3A_5, %broadcast_in_dim3A_287] : memref<32x128xf32, #tpu.memory_space<vmem>>[vector<16xi32>, vector<16xi32>], vector<16xf32>,
      tpu.vector_store_idx %arg14[%iota3A, %broadcast_in_dim3A_288], %gather3A_289 : memref<32x512xf32, #tpu.memory_space<vmem>>[vector<16xi32>, vector<16xi32>], vector<16xf32>,
      tpu.vector_store_idx %arg14[%add3A_5, %broadcast_in_dim3A_288], %gather3A_290 : memref<32x512xf32, #tpu.memory_space<vmem>>[vector<16xi32>, vector<16xi32>], vector<16xf32>,
      %slice3A_291 = vector.extract_strided_slice %scan3A_95 {offsets = [14], sizes = [1], strides = [1]} : vector<16xi32> to vector<1xi32>
      %squeeze3A_292 = vector.extract %slice3A_291[0] : i32 from vector<1xi32>
      %shift_right_arithmetic3A_293 = arith.constant 7 : i32
      %shift_right_arithmetic3A_294 = arith.shrsi %squeeze3A_292, %shift_right_arithmetic3A_293 : i32
      %shift_left3A_295 = arith.constant 7 : i32
      %shift_left3A_296 = arith.shli %shift_right_arithmetic3A_294, %shift_left3A_295 : i32
      %multiple_of3A_297 = tpu.assume_multiple %shift_left3A_296, 128 : i32
      %dma_start3A_298 = arith.constant 0 : i32
      %dma_start3A_299 = tpu.memref_slice %arg3[%dma_start3A_298, %multiple_of3A_297] : memref<32x1000001xf32, #tpu.memory_space<hbm>> -> memref<32x128xf32, #tpu.memory_space<hbm>>
      %dma_start3A_300 = arith.constant 0 : i32
      %dma_start3A_301 = tpu.memref_slice %arg3[%dma_start3A_300, %multiple_of3A_297] : memref<32x1000001xf32, #tpu.memory_space<hbm>> -> memref<32x128xf32, #tpu.memory_space<hbm>>
      tpu.enqueue_dma source(%dma_start3A_301 : memref<32x128xf32, #tpu.memory_space<hbm>>) target(%arg12 : memref<32x128xf32, #tpu.memory_space<vmem>>) target_semaphore(%arg21 : memref<!tpu.dma_semaphore, #tpu.memory_space<semaphore_mem>>)
      %mul3A_302 = arith.constant 16 : i32
      %mul3A_303 = arith.muli %scan3A_94, %mul3A_302 : i32
      %add3A_304 = arith.constant 7 : i32
      %add3A_305 = arith.addi %mul3A_303, %add3A_304 : i32
      %dma_wait3A_306 = arith.constant 0 : i32
      %dma_wait3A_307 = arith.constant 0 : i32
      %dma_wait3A_308 = tpu.memref_slice %arg3[%dma_wait3A_306, %dma_wait3A_307] : memref<32x1000001xf32, #tpu.memory_space<hbm>> -> memref<32x128xf32, #tpu.memory_space<hbm>>
      %dma_wait3A_309 = arith.constant 0 : i32
      %dma_wait3A_310 = arith.constant 0 : i32
      %dma_wait3A_311 = tpu.memref_slice %arg3[%dma_wait3A_309, %dma_wait3A_310] : memref<32x1000001xf32, #tpu.memory_space<hbm>> -> memref<32x128xf32, #tpu.memory_space<hbm>>
      tpu.wait_dma2 semaphore(%arg22 : memref<!tpu.dma_semaphore, #tpu.memory_space<semaphore_mem>>) src(%dma_wait3A_311 : memref<32x128xf32, #tpu.memory_space<hbm>>) dst(%arg13 : memref<32x128xf32, #tpu.memory_space<vmem>>)
      %slice3A_312 = vector.extract_strided_slice %scan3A_95 {offsets = [7], sizes = [1], strides = [1]} : vector<16xi32> to vector<1xi32>
      %squeeze3A_313 = vector.extract %slice3A_312[0] : i32 from vector<1xi32>
      %and3A_314 = arith.constant 127 : i32
      %and3A_315 = arith.andi %squeeze3A_313, %and3A_314 : i32
      %broadcast_in_dim3A_316 = vector.broadcast %and3A_315 : i32 to vector<16xi32>
      %broadcast_in_dim3A_317 = vector.broadcast %add3A_305 : i32 to vector<16xi32>
      %gather3A_318 = tpu.vector_load_idx %arg13[%iota3A, %broadcast_in_dim3A_316] : memref<32x128xf32, #tpu.memory_space<vmem>>[vector<16xi32>, vector<16xi32>], vector<16xf32>,
      %gather3A_319 = tpu.vector_load_idx %arg13[%add3A_5, %broadcast_in_dim3A_316] : memref<32x128xf32, #tpu.memory_space<vmem>>[vector<16xi32>, vector<16xi32>], vector<16xf32>,
      tpu.vector_store_idx %arg14[%iota3A, %broadcast_in_dim3A_317], %gather3A_318 : memref<32x512xf32, #tpu.memory_space<vmem>>[vector<16xi32>, vector<16xi32>], vector<16xf32>,
      tpu.vector_store_idx %arg14[%add3A_5, %broadcast_in_dim3A_317], %gather3A_319 : memref<32x512xf32, #tpu.memory_space<vmem>>[vector<16xi32>, vector<16xi32>], vector<16xf32>,
      %slice3A_320 = vector.extract_strided_slice %scan3A_95 {offsets = [15], sizes = [1], strides = [1]} : vector<16xi32> to vector<1xi32>
      %squeeze3A_321 = vector.extract %slice3A_320[0] : i32 from vector<1xi32>
      %shift_right_arithmetic3A_322 = arith.constant 7 : i32
      %shift_right_arithmetic3A_323 = arith.shrsi %squeeze3A_321, %shift_right_arithmetic3A_322 : i32
      %shift_left3A_324 = arith.constant 7 : i32
      %shift_left3A_325 = arith.shli %shift_right_arithmetic3A_323, %shift_left3A_324 : i32
      %multiple_of3A_326 = tpu.assume_multiple %shift_left3A_325, 128 : i32
      %dma_start3A_327 = arith.constant 0 : i32
      %dma_start3A_328 = tpu.memref_slice %arg3[%dma_start3A_327, %multiple_of3A_326] : memref<32x1000001xf32, #tpu.memory_space<hbm>> -> memref<32x128xf32, #tpu.memory_space<hbm>>
      %dma_start3A_329 = arith.constant 0 : i32
      %dma_start3A_330 = tpu.memref_slice %arg3[%dma_start3A_329, %multiple_of3A_326] : memref<32x1000001xf32, #tpu.memory_space<hbm>> -> memref<32x128xf32, #tpu.memory_space<hbm>>
      tpu.enqueue_dma source(%dma_start3A_330 : memref<32x128xf32, #tpu.memory_space<hbm>>) target(%arg13 : memref<32x128xf32, #tpu.memory_space<vmem>>) target_semaphore(%arg22 : memref<!tpu.dma_semaphore, #tpu.memory_space<semaphore_mem>>)
      %mul3A_331 = arith.constant 16 : i32
      %mul3A_332 = arith.muli %scan3A_94, %mul3A_331 : i32
      %add3A_333 = arith.constant 8 : i32
      %add3A_334 = arith.addi %mul3A_332, %add3A_333 : i32
      %dma_wait3A_335 = arith.constant 0 : i32
      %dma_wait3A_336 = arith.constant 0 : i32
      %dma_wait3A_337 = tpu.memref_slice %arg3[%dma_wait3A_335, %dma_wait3A_336] : memref<32x1000001xf32, #tpu.memory_space<hbm>> -> memref<32x128xf32, #tpu.memory_space<hbm>>
      %dma_wait3A_338 = arith.constant 0 : i32
      %dma_wait3A_339 = arith.constant 0 : i32
      %dma_wait3A_340 = tpu.memref_slice %arg3[%dma_wait3A_338, %dma_wait3A_339] : memref<32x1000001xf32, #tpu.memory_space<hbm>> -> memref<32x128xf32, #tpu.memory_space<hbm>>
      tpu.wait_dma2 semaphore(%arg15 : memref<!tpu.dma_semaphore, #tpu.memory_space<semaphore_mem>>) src(%dma_wait3A_340 : memref<32x128xf32, #tpu.memory_space<hbm>>) dst(%arg6 : memref<32x128xf32, #tpu.memory_space<vmem>>)
      %slice3A_341 = vector.extract_strided_slice %scan3A_95 {offsets = [8], sizes = [1], strides = [1]} : vector<16xi32> to vector<1xi32>
      %squeeze3A_342 = vector.extract %slice3A_341[0] : i32 from vector<1xi32>
      %and3A_343 = arith.constant 127 : i32
      %and3A_344 = arith.andi %squeeze3A_342, %and3A_343 : i32
      %broadcast_in_dim3A_345 = vector.broadcast %and3A_344 : i32 to vector<16xi32>
      %broadcast_in_dim3A_346 = vector.broadcast %add3A_334 : i32 to vector<16xi32>
      %gather3A_347 = tpu.vector_load_idx %arg6[%iota3A, %broadcast_in_dim3A_345] : memref<32x128xf32, #tpu.memory_space<vmem>>[vector<16xi32>, vector<16xi32>], vector<16xf32>,
      %gather3A_348 = tpu.vector_load_idx %arg6[%add3A_5, %broadcast_in_dim3A_345] : memref<32x128xf32, #tpu.memory_space<vmem>>[vector<16xi32>, vector<16xi32>], vector<16xf32>,
      tpu.vector_store_idx %arg14[%iota3A, %broadcast_in_dim3A_346], %gather3A_347 : memref<32x512xf32, #tpu.memory_space<vmem>>[vector<16xi32>, vector<16xi32>], vector<16xf32>,
      tpu.vector_store_idx %arg14[%add3A_5, %broadcast_in_dim3A_346], %gather3A_348 : memref<32x512xf32, #tpu.memory_space<vmem>>[vector<16xi32>, vector<16xi32>], vector<16xf32>,
      %lt3A = arith.constant 31 : i32
      %lt3A_349 = arith.cmpi slt, %scan3A_94, %lt3A : i32
      %convert_element_type3A = arith.extui %lt3A_349 : i1 to i32
      %cond3A = arith.constant 0 : i32
      %cond3A_350 = arith.cmpi ne, %convert_element_type3A, %cond3A : i32
      scf.if %cond3A_350 {
        %slice3A_512 = vector.extract_strided_slice %get3A_102 {offsets = [0], sizes = [1], strides = [1]} : vector<16xi32> to vector<1xi32>
        %squeeze3A_513 = vector.extract %slice3A_512[0] : i32 from vector<1xi32>
        %shift_right_arithmetic3A_514 = arith.constant 7 : i32
        %shift_right_arithmetic3A_515 = arith.shrsi %squeeze3A_513, %shift_right_arithmetic3A_514 : i32
        %shift_left3A_516 = arith.constant 7 : i32
        %shift_left3A_517 = arith.shli %shift_right_arithmetic3A_515, %shift_left3A_516 : i32
        %multiple_of3A_518 = tpu.assume_multiple %shift_left3A_517, 128 : i32
        %dma_start3A_519 = arith.constant 0 : i32
        %dma_start3A_520 = tpu.memref_slice %arg3[%dma_start3A_519, %multiple_of3A_518] : memref<32x1000001xf32, #tpu.memory_space<hbm>> -> memref<32x128xf32, #tpu.memory_space<hbm>>
        %dma_start3A_521 = arith.constant 0 : i32
        %dma_start3A_522 = tpu.memref_slice %arg3[%dma_start3A_521, %multiple_of3A_518] : memref<32x1000001xf32, #tpu.memory_space<hbm>> -> memref<32x128xf32, #tpu.memory_space<hbm>>
        tpu.enqueue_dma source(%dma_start3A_522 : memref<32x128xf32, #tpu.memory_space<hbm>>) target(%arg6 : memref<32x128xf32, #tpu.memory_space<vmem>>) target_semaphore(%arg15 : memref<!tpu.dma_semaphore, #tpu.memory_space<semaphore_mem>>)
      } else {
      }
      %mul3A_351 = arith.constant 16 : i32
      %mul3A_352 = arith.muli %scan3A_94, %mul3A_351 : i32
      %add3A_353 = arith.constant 9 : i32
      %add3A_354 = arith.addi %mul3A_352, %add3A_353 : i32
      %dma_wait3A_355 = arith.constant 0 : i32
      %dma_wait3A_356 = arith.constant 0 : i32
      %dma_wait3A_357 = tpu.memref_slice %arg3[%dma_wait3A_355, %dma_wait3A_356] : memref<32x1000001xf32, #tpu.memory_space<hbm>> -> memref<32x128xf32, #tpu.memory_space<hbm>>
      %dma_wait3A_358 = arith.constant 0 : i32
      %dma_wait3A_359 = arith.constant 0 : i32
      %dma_wait3A_360 = tpu.memref_slice %arg3[%dma_wait3A_358, %dma_wait3A_359] : memref<32x1000001xf32, #tpu.memory_space<hbm>> -> memref<32x128xf32, #tpu.memory_space<hbm>>
      tpu.wait_dma2 semaphore(%arg16 : memref<!tpu.dma_semaphore, #tpu.memory_space<semaphore_mem>>) src(%dma_wait3A_360 : memref<32x128xf32, #tpu.memory_space<hbm>>) dst(%arg7 : memref<32x128xf32, #tpu.memory_space<vmem>>)
      %slice3A_361 = vector.extract_strided_slice %scan3A_95 {offsets = [9], sizes = [1], strides = [1]} : vector<16xi32> to vector<1xi32>
      %squeeze3A_362 = vector.extract %slice3A_361[0] : i32 from vector<1xi32>
      %and3A_363 = arith.constant 127 : i32
      %and3A_364 = arith.andi %squeeze3A_362, %and3A_363 : i32
      %broadcast_in_dim3A_365 = vector.broadcast %and3A_364 : i32 to vector<16xi32>
      %broadcast_in_dim3A_366 = vector.broadcast %add3A_354 : i32 to vector<16xi32>
      %gather3A_367 = tpu.vector_load_idx %arg7[%iota3A, %broadcast_in_dim3A_365] : memref<32x128xf32, #tpu.memory_space<vmem>>[vector<16xi32>, vector<16xi32>], vector<16xf32>,
      %gather3A_368 = tpu.vector_load_idx %arg7[%add3A_5, %broadcast_in_dim3A_365] : memref<32x128xf32, #tpu.memory_space<vmem>>[vector<16xi32>, vector<16xi32>], vector<16xf32>,
      tpu.vector_store_idx %arg14[%iota3A, %broadcast_in_dim3A_366], %gather3A_367 : memref<32x512xf32, #tpu.memory_space<vmem>>[vector<16xi32>, vector<16xi32>], vector<16xf32>,
      tpu.vector_store_idx %arg14[%add3A_5, %broadcast_in_dim3A_366], %gather3A_368 : memref<32x512xf32, #tpu.memory_space<vmem>>[vector<16xi32>, vector<16xi32>], vector<16xf32>,
      %lt3A_369 = arith.constant 31 : i32
      %lt3A_370 = arith.cmpi slt, %scan3A_94, %lt3A_369 : i32
      %convert_element_type3A_371 = arith.extui %lt3A_370 : i1 to i32
      %cond3A_372 = arith.constant 0 : i32
      %cond3A_373 = arith.cmpi ne, %convert_element_type3A_371, %cond3A_372 : i32
      scf.if %cond3A_373 {
        %slice3A_512 = vector.extract_strided_slice %get3A_102 {offsets = [1], sizes = [1], strides = [1]} : vector<16xi32> to vector<1xi32>
        %squeeze3A_513 = vector.extract %slice3A_512[0] : i32 from vector<1xi32>
        %shift_right_arithmetic3A_514 = arith.constant 7 : i32
        %shift_right_arithmetic3A_515 = arith.shrsi %squeeze3A_513, %shift_right_arithmetic3A_514 : i32
        %shift_left3A_516 = arith.constant 7 : i32
        %shift_left3A_517 = arith.shli %shift_right_arithmetic3A_515, %shift_left3A_516 : i32
        %multiple_of3A_518 = tpu.assume_multiple %shift_left3A_517, 128 : i32
        %dma_start3A_519 = arith.constant 0 : i32
        %dma_start3A_520 = tpu.memref_slice %arg3[%dma_start3A_519, %multiple_of3A_518] : memref<32x1000001xf32, #tpu.memory_space<hbm>> -> memref<32x128xf32, #tpu.memory_space<hbm>>
        %dma_start3A_521 = arith.constant 0 : i32
        %dma_start3A_522 = tpu.memref_slice %arg3[%dma_start3A_521, %multiple_of3A_518] : memref<32x1000001xf32, #tpu.memory_space<hbm>> -> memref<32x128xf32, #tpu.memory_space<hbm>>
        tpu.enqueue_dma source(%dma_start3A_522 : memref<32x128xf32, #tpu.memory_space<hbm>>) target(%arg7 : memref<32x128xf32, #tpu.memory_space<vmem>>) target_semaphore(%arg16 : memref<!tpu.dma_semaphore, #tpu.memory_space<semaphore_mem>>)
      } else {
      }
      %mul3A_374 = arith.constant 16 : i32
      %mul3A_375 = arith.muli %scan3A_94, %mul3A_374 : i32
      %add3A_376 = arith.constant 10 : i32
      %add3A_377 = arith.addi %mul3A_375, %add3A_376 : i32
      %dma_wait3A_378 = arith.constant 0 : i32
      %dma_wait3A_379 = arith.constant 0 : i32
      %dma_wait3A_380 = tpu.memref_slice %arg3[%dma_wait3A_378, %dma_wait3A_379] : memref<32x1000001xf32, #tpu.memory_space<hbm>> -> memref<32x128xf32, #tpu.memory_space<hbm>>
      %dma_wait3A_381 = arith.constant 0 : i32
      %dma_wait3A_382 = arith.constant 0 : i32
      %dma_wait3A_383 = tpu.memref_slice %arg3[%dma_wait3A_381, %dma_wait3A_382] : memref<32x1000001xf32, #tpu.memory_space<hbm>> -> memref<32x128xf32, #tpu.memory_space<hbm>>
      tpu.wait_dma2 semaphore(%arg17 : memref<!tpu.dma_semaphore, #tpu.memory_space<semaphore_mem>>) src(%dma_wait3A_383 : memref<32x128xf32, #tpu.memory_space<hbm>>) dst(%arg8 : memref<32x128xf32, #tpu.memory_space<vmem>>)
      %slice3A_384 = vector.extract_strided_slice %scan3A_95 {offsets = [10], sizes = [1], strides = [1]} : vector<16xi32> to vector<1xi32>
      %squeeze3A_385 = vector.extract %slice3A_384[0] : i32 from vector<1xi32>
      %and3A_386 = arith.constant 127 : i32
      %and3A_387 = arith.andi %squeeze3A_385, %and3A_386 : i32
      %broadcast_in_dim3A_388 = vector.broadcast %and3A_387 : i32 to vector<16xi32>
      %broadcast_in_dim3A_389 = vector.broadcast %add3A_377 : i32 to vector<16xi32>
      %gather3A_390 = tpu.vector_load_idx %arg8[%iota3A, %broadcast_in_dim3A_388] : memref<32x128xf32, #tpu.memory_space<vmem>>[vector<16xi32>, vector<16xi32>], vector<16xf32>,
      %gather3A_391 = tpu.vector_load_idx %arg8[%add3A_5, %broadcast_in_dim3A_388] : memref<32x128xf32, #tpu.memory_space<vmem>>[vector<16xi32>, vector<16xi32>], vector<16xf32>,
      tpu.vector_store_idx %arg14[%iota3A, %broadcast_in_dim3A_389], %gather3A_390 : memref<32x512xf32, #tpu.memory_space<vmem>>[vector<16xi32>, vector<16xi32>], vector<16xf32>,
      tpu.vector_store_idx %arg14[%add3A_5, %broadcast_in_dim3A_389], %gather3A_391 : memref<32x512xf32, #tpu.memory_space<vmem>>[vector<16xi32>, vector<16xi32>], vector<16xf32>,
      %lt3A_392 = arith.constant 31 : i32
      %lt3A_393 = arith.cmpi slt, %scan3A_94, %lt3A_392 : i32
      %convert_element_type3A_394 = arith.extui %lt3A_393 : i1 to i32
      %cond3A_395 = arith.constant 0 : i32
      %cond3A_396 = arith.cmpi ne, %convert_element_type3A_394, %cond3A_395 : i32
      scf.if %cond3A_396 {
        %slice3A_512 = vector.extract_strided_slice %get3A_102 {offsets = [2], sizes = [1], strides = [1]} : vector<16xi32> to vector<1xi32>
        %squeeze3A_513 = vector.extract %slice3A_512[0] : i32 from vector<1xi32>
        %shift_right_arithmetic3A_514 = arith.constant 7 : i32
        %shift_right_arithmetic3A_515 = arith.shrsi %squeeze3A_513, %shift_right_arithmetic3A_514 : i32
        %shift_left3A_516 = arith.constant 7 : i32
        %shift_left3A_517 = arith.shli %shift_right_arithmetic3A_515, %shift_left3A_516 : i32
        %multiple_of3A_518 = tpu.assume_multiple %shift_left3A_517, 128 : i32
        %dma_start3A_519 = arith.constant 0 : i32
        %dma_start3A_520 = tpu.memref_slice %arg3[%dma_start3A_519, %multiple_of3A_518] : memref<32x1000001xf32, #tpu.memory_space<hbm>> -> memref<32x128xf32, #tpu.memory_space<hbm>>
        %dma_start3A_521 = arith.constant 0 : i32
        %dma_start3A_522 = tpu.memref_slice %arg3[%dma_start3A_521, %multiple_of3A_518] : memref<32x1000001xf32, #tpu.memory_space<hbm>> -> memref<32x128xf32, #tpu.memory_space<hbm>>
        tpu.enqueue_dma source(%dma_start3A_522 : memref<32x128xf32, #tpu.memory_space<hbm>>) target(%arg8 : memref<32x128xf32, #tpu.memory_space<vmem>>) target_semaphore(%arg17 : memref<!tpu.dma_semaphore, #tpu.memory_space<semaphore_mem>>)
      } else {
      }
      %mul3A_397 = arith.constant 16 : i32
      %mul3A_398 = arith.muli %scan3A_94, %mul3A_397 : i32
      %add3A_399 = arith.constant 11 : i32
      %add3A_400 = arith.addi %mul3A_398, %add3A_399 : i32
      %dma_wait3A_401 = arith.constant 0 : i32
      %dma_wait3A_402 = arith.constant 0 : i32
      %dma_wait3A_403 = tpu.memref_slice %arg3[%dma_wait3A_401, %dma_wait3A_402] : memref<32x1000001xf32, #tpu.memory_space<hbm>> -> memref<32x128xf32, #tpu.memory_space<hbm>>
      %dma_wait3A_404 = arith.constant 0 : i32
      %dma_wait3A_405 = arith.constant 0 : i32
      %dma_wait3A_406 = tpu.memref_slice %arg3[%dma_wait3A_404, %dma_wait3A_405] : memref<32x1000001xf32, #tpu.memory_space<hbm>> -> memref<32x128xf32, #tpu.memory_space<hbm>>
      tpu.wait_dma2 semaphore(%arg18 : memref<!tpu.dma_semaphore, #tpu.memory_space<semaphore_mem>>) src(%dma_wait3A_406 : memref<32x128xf32, #tpu.memory_space<hbm>>) dst(%arg9 : memref<32x128xf32, #tpu.memory_space<vmem>>)
      %slice3A_407 = vector.extract_strided_slice %scan3A_95 {offsets = [11], sizes = [1], strides = [1]} : vector<16xi32> to vector<1xi32>
      %squeeze3A_408 = vector.extract %slice3A_407[0] : i32 from vector<1xi32>
      %and3A_409 = arith.constant 127 : i32
      %and3A_410 = arith.andi %squeeze3A_408, %and3A_409 : i32
      %broadcast_in_dim3A_411 = vector.broadcast %and3A_410 : i32 to vector<16xi32>
      %broadcast_in_dim3A_412 = vector.broadcast %add3A_400 : i32 to vector<16xi32>
      %gather3A_413 = tpu.vector_load_idx %arg9[%iota3A, %broadcast_in_dim3A_411] : memref<32x128xf32, #tpu.memory_space<vmem>>[vector<16xi32>, vector<16xi32>], vector<16xf32>,
      %gather3A_414 = tpu.vector_load_idx %arg9[%add3A_5, %broadcast_in_dim3A_411] : memref<32x128xf32, #tpu.memory_space<vmem>>[vector<16xi32>, vector<16xi32>], vector<16xf32>,
      tpu.vector_store_idx %arg14[%iota3A, %broadcast_in_dim3A_412], %gather3A_413 : memref<32x512xf32, #tpu.memory_space<vmem>>[vector<16xi32>, vector<16xi32>], vector<16xf32>,
      tpu.vector_store_idx %arg14[%add3A_5, %broadcast_in_dim3A_412], %gather3A_414 : memref<32x512xf32, #tpu.memory_space<vmem>>[vector<16xi32>, vector<16xi32>], vector<16xf32>,
      %lt3A_415 = arith.constant 31 : i32
      %lt3A_416 = arith.cmpi slt, %scan3A_94, %lt3A_415 : i32
      %convert_element_type3A_417 = arith.extui %lt3A_416 : i1 to i32
      %cond3A_418 = arith.constant 0 : i32
      %cond3A_419 = arith.cmpi ne, %convert_element_type3A_417, %cond3A_418 : i32
      scf.if %cond3A_419 {
        %slice3A_512 = vector.extract_strided_slice %get3A_102 {offsets = [3], sizes = [1], strides = [1]} : vector<16xi32> to vector<1xi32>
        %squeeze3A_513 = vector.extract %slice3A_512[0] : i32 from vector<1xi32>
        %shift_right_arithmetic3A_514 = arith.constant 7 : i32
        %shift_right_arithmetic3A_515 = arith.shrsi %squeeze3A_513, %shift_right_arithmetic3A_514 : i32
        %shift_left3A_516 = arith.constant 7 : i32
        %shift_left3A_517 = arith.shli %shift_right_arithmetic3A_515, %shift_left3A_516 : i32
        %multiple_of3A_518 = tpu.assume_multiple %shift_left3A_517, 128 : i32
        %dma_start3A_519 = arith.constant 0 : i32
        %dma_start3A_520 = tpu.memref_slice %arg3[%dma_start3A_519, %multiple_of3A_518] : memref<32x1000001xf32, #tpu.memory_space<hbm>> -> memref<32x128xf32, #tpu.memory_space<hbm>>
        %dma_start3A_521 = arith.constant 0 : i32
        %dma_start3A_522 = tpu.memref_slice %arg3[%dma_start3A_521, %multiple_of3A_518] : memref<32x1000001xf32, #tpu.memory_space<hbm>> -> memref<32x128xf32, #tpu.memory_space<hbm>>
        tpu.enqueue_dma source(%dma_start3A_522 : memref<32x128xf32, #tpu.memory_space<hbm>>) target(%arg9 : memref<32x128xf32, #tpu.memory_space<vmem>>) target_semaphore(%arg18 : memref<!tpu.dma_semaphore, #tpu.memory_space<semaphore_mem>>)
      } else {
      }
      %mul3A_420 = arith.constant 16 : i32
      %mul3A_421 = arith.muli %scan3A_94, %mul3A_420 : i32
      %add3A_422 = arith.constant 12 : i32
      %add3A_423 = arith.addi %mul3A_421, %add3A_422 : i32
      %dma_wait3A_424 = arith.constant 0 : i32
      %dma_wait3A_425 = arith.constant 0 : i32
      %dma_wait3A_426 = tpu.memref_slice %arg3[%dma_wait3A_424, %dma_wait3A_425] : memref<32x1000001xf32, #tpu.memory_space<hbm>> -> memref<32x128xf32, #tpu.memory_space<hbm>>
      %dma_wait3A_427 = arith.constant 0 : i32
      %dma_wait3A_428 = arith.constant 0 : i32
      %dma_wait3A_429 = tpu.memref_slice %arg3[%dma_wait3A_427, %dma_wait3A_428] : memref<32x1000001xf32, #tpu.memory_space<hbm>> -> memref<32x128xf32, #tpu.memory_space<hbm>>
      tpu.wait_dma2 semaphore(%arg19 : memref<!tpu.dma_semaphore, #tpu.memory_space<semaphore_mem>>) src(%dma_wait3A_429 : memref<32x128xf32, #tpu.memory_space<hbm>>) dst(%arg10 : memref<32x128xf32, #tpu.memory_space<vmem>>)
      %slice3A_430 = vector.extract_strided_slice %scan3A_95 {offsets = [12], sizes = [1], strides = [1]} : vector<16xi32> to vector<1xi32>
      %squeeze3A_431 = vector.extract %slice3A_430[0] : i32 from vector<1xi32>
      %and3A_432 = arith.constant 127 : i32
      %and3A_433 = arith.andi %squeeze3A_431, %and3A_432 : i32
      %broadcast_in_dim3A_434 = vector.broadcast %and3A_433 : i32 to vector<16xi32>
      %broadcast_in_dim3A_435 = vector.broadcast %add3A_423 : i32 to vector<16xi32>
      %gather3A_436 = tpu.vector_load_idx %arg10[%iota3A, %broadcast_in_dim3A_434] : memref<32x128xf32, #tpu.memory_space<vmem>>[vector<16xi32>, vector<16xi32>], vector<16xf32>,
      %gather3A_437 = tpu.vector_load_idx %arg10[%add3A_5, %broadcast_in_dim3A_434] : memref<32x128xf32, #tpu.memory_space<vmem>>[vector<16xi32>, vector<16xi32>], vector<16xf32>,
      tpu.vector_store_idx %arg14[%iota3A, %broadcast_in_dim3A_435], %gather3A_436 : memref<32x512xf32, #tpu.memory_space<vmem>>[vector<16xi32>, vector<16xi32>], vector<16xf32>,
      tpu.vector_store_idx %arg14[%add3A_5, %broadcast_in_dim3A_435], %gather3A_437 : memref<32x512xf32, #tpu.memory_space<vmem>>[vector<16xi32>, vector<16xi32>], vector<16xf32>,
      %lt3A_438 = arith.constant 31 : i32
      %lt3A_439 = arith.cmpi slt, %scan3A_94, %lt3A_438 : i32
      %convert_element_type3A_440 = arith.extui %lt3A_439 : i1 to i32
      %cond3A_441 = arith.constant 0 : i32
      %cond3A_442 = arith.cmpi ne, %convert_element_type3A_440, %cond3A_441 : i32
      scf.if %cond3A_442 {
        %slice3A_512 = vector.extract_strided_slice %get3A_102 {offsets = [4], sizes = [1], strides = [1]} : vector<16xi32> to vector<1xi32>
        %squeeze3A_513 = vector.extract %slice3A_512[0] : i32 from vector<1xi32>
        %shift_right_arithmetic3A_514 = arith.constant 7 : i32
        %shift_right_arithmetic3A_515 = arith.shrsi %squeeze3A_513, %shift_right_arithmetic3A_514 : i32
        %shift_left3A_516 = arith.constant 7 : i32
        %shift_left3A_517 = arith.shli %shift_right_arithmetic3A_515, %shift_left3A_516 : i32
        %multiple_of3A_518 = tpu.assume_multiple %shift_left3A_517, 128 : i32
        %dma_start3A_519 = arith.constant 0 : i32
        %dma_start3A_520 = tpu.memref_slice %arg3[%dma_start3A_519, %multiple_of3A_518] : memref<32x1000001xf32, #tpu.memory_space<hbm>> -> memref<32x128xf32, #tpu.memory_space<hbm>>
        %dma_start3A_521 = arith.constant 0 : i32
        %dma_start3A_522 = tpu.memref_slice %arg3[%dma_start3A_521, %multiple_of3A_518] : memref<32x1000001xf32, #tpu.memory_space<hbm>> -> memref<32x128xf32, #tpu.memory_space<hbm>>
        tpu.enqueue_dma source(%dma_start3A_522 : memref<32x128xf32, #tpu.memory_space<hbm>>) target(%arg10 : memref<32x128xf32, #tpu.memory_space<vmem>>) target_semaphore(%arg19 : memref<!tpu.dma_semaphore, #tpu.memory_space<semaphore_mem>>)
      } else {
      }
      %mul3A_443 = arith.constant 16 : i32
      %mul3A_444 = arith.muli %scan3A_94, %mul3A_443 : i32
      %add3A_445 = arith.constant 13 : i32
      %add3A_446 = arith.addi %mul3A_444, %add3A_445 : i32
      %dma_wait3A_447 = arith.constant 0 : i32
      %dma_wait3A_448 = arith.constant 0 : i32
      %dma_wait3A_449 = tpu.memref_slice %arg3[%dma_wait3A_447, %dma_wait3A_448] : memref<32x1000001xf32, #tpu.memory_space<hbm>> -> memref<32x128xf32, #tpu.memory_space<hbm>>
      %dma_wait3A_450 = arith.constant 0 : i32
      %dma_wait3A_451 = arith.constant 0 : i32
      %dma_wait3A_452 = tpu.memref_slice %arg3[%dma_wait3A_450, %dma_wait3A_451] : memref<32x1000001xf32, #tpu.memory_space<hbm>> -> memref<32x128xf32, #tpu.memory_space<hbm>>
      tpu.wait_dma2 semaphore(%arg20 : memref<!tpu.dma_semaphore, #tpu.memory_space<semaphore_mem>>) src(%dma_wait3A_452 : memref<32x128xf32, #tpu.memory_space<hbm>>) dst(%arg11 : memref<32x128xf32, #tpu.memory_space<vmem>>)
      %slice3A_453 = vector.extract_strided_slice %scan3A_95 {offsets = [13], sizes = [1], strides = [1]} : vector<16xi32> to vector<1xi32>
      %squeeze3A_454 = vector.extract %slice3A_453[0] : i32 from vector<1xi32>
      %and3A_455 = arith.constant 127 : i32
      %and3A_456 = arith.andi %squeeze3A_454, %and3A_455 : i32
      %broadcast_in_dim3A_457 = vector.broadcast %and3A_456 : i32 to vector<16xi32>
      %broadcast_in_dim3A_458 = vector.broadcast %add3A_446 : i32 to vector<16xi32>
      %gather3A_459 = tpu.vector_load_idx %arg11[%iota3A, %broadcast_in_dim3A_457] : memref<32x128xf32, #tpu.memory_space<vmem>>[vector<16xi32>, vector<16xi32>], vector<16xf32>,
      %gather3A_460 = tpu.vector_load_idx %arg11[%add3A_5, %broadcast_in_dim3A_457] : memref<32x128xf32, #tpu.memory_space<vmem>>[vector<16xi32>, vector<16xi32>], vector<16xf32>,
      tpu.vector_store_idx %arg14[%iota3A, %broadcast_in_dim3A_458], %gather3A_459 : memref<32x512xf32, #tpu.memory_space<vmem>>[vector<16xi32>, vector<16xi32>], vector<16xf32>,
      tpu.vector_store_idx %arg14[%add3A_5, %broadcast_in_dim3A_458], %gather3A_460 : memref<32x512xf32, #tpu.memory_space<vmem>>[vector<16xi32>, vector<16xi32>], vector<16xf32>,
      %lt3A_461 = arith.constant 31 : i32
      %lt3A_462 = arith.cmpi slt, %scan3A_94, %lt3A_461 : i32
      %convert_element_type3A_463 = arith.extui %lt3A_462 : i1 to i32
      %cond3A_464 = arith.constant 0 : i32
      %cond3A_465 = arith.cmpi ne, %convert_element_type3A_463, %cond3A_464 : i32
      scf.if %cond3A_465 {
        %slice3A_512 = vector.extract_strided_slice %get3A_102 {offsets = [5], sizes = [1], strides = [1]} : vector<16xi32> to vector<1xi32>
        %squeeze3A_513 = vector.extract %slice3A_512[0] : i32 from vector<1xi32>
        %shift_right_arithmetic3A_514 = arith.constant 7 : i32
        %shift_right_arithmetic3A_515 = arith.shrsi %squeeze3A_513, %shift_right_arithmetic3A_514 : i32
        %shift_left3A_516 = arith.constant 7 : i32
        %shift_left3A_517 = arith.shli %shift_right_arithmetic3A_515, %shift_left3A_516 : i32
        %multiple_of3A_518 = tpu.assume_multiple %shift_left3A_517, 128 : i32
        %dma_start3A_519 = arith.constant 0 : i32
        %dma_start3A_520 = tpu.memref_slice %arg3[%dma_start3A_519, %multiple_of3A_518] : memref<32x1000001xf32, #tpu.memory_space<hbm>> -> memref<32x128xf32, #tpu.memory_space<hbm>>
        %dma_start3A_521 = arith.constant 0 : i32
        %dma_start3A_522 = tpu.memref_slice %arg3[%dma_start3A_521, %multiple_of3A_518] : memref<32x1000001xf32, #tpu.memory_space<hbm>> -> memref<32x128xf32, #tpu.memory_space<hbm>>
        tpu.enqueue_dma source(%dma_start3A_522 : memref<32x128xf32, #tpu.memory_space<hbm>>) target(%arg11 : memref<32x128xf32, #tpu.memory_space<vmem>>) target_semaphore(%arg20 : memref<!tpu.dma_semaphore, #tpu.memory_space<semaphore_mem>>)
      } else {
      }
      %mul3A_466 = arith.constant 16 : i32
      %mul3A_467 = arith.muli %scan3A_94, %mul3A_466 : i32
      %add3A_468 = arith.constant 14 : i32
      %add3A_469 = arith.addi %mul3A_467, %add3A_468 : i32
      %dma_wait3A_470 = arith.constant 0 : i32
      %dma_wait3A_471 = arith.constant 0 : i32
      %dma_wait3A_472 = tpu.memref_slice %arg3[%dma_wait3A_470, %dma_wait3A_471] : memref<32x1000001xf32, #tpu.memory_space<hbm>> -> memref<32x128xf32, #tpu.memory_space<hbm>>
      %dma_wait3A_473 = arith.constant 0 : i32
      %dma_wait3A_474 = arith.constant 0 : i32
      %dma_wait3A_475 = tpu.memref_slice %arg3[%dma_wait3A_473, %dma_wait3A_474] : memref<32x1000001xf32, #tpu.memory_space<hbm>> -> memref<32x128xf32, #tpu.memory_space<hbm>>
      tpu.wait_dma2 semaphore(%arg21 : memref<!tpu.dma_semaphore, #tpu.memory_space<semaphore_mem>>) src(%dma_wait3A_475 : memref<32x128xf32, #tpu.memory_space<hbm>>) dst(%arg12 : memref<32x128xf32, #tpu.memory_space<vmem>>)
      %slice3A_476 = vector.extract_strided_slice %scan3A_95 {offsets = [14], sizes = [1], strides = [1]} : vector<16xi32> to vector<1xi32>
      %squeeze3A_477 = vector.extract %slice3A_476[0] : i32 from vector<1xi32>
      %and3A_478 = arith.constant 127 : i32
      %and3A_479 = arith.andi %squeeze3A_477, %and3A_478 : i32
      %broadcast_in_dim3A_480 = vector.broadcast %and3A_479 : i32 to vector<16xi32>
      %broadcast_in_dim3A_481 = vector.broadcast %add3A_469 : i32 to vector<16xi32>
      %gather3A_482 = tpu.vector_load_idx %arg12[%iota3A, %broadcast_in_dim3A_480] : memref<32x128xf32, #tpu.memory_space<vmem>>[vector<16xi32>, vector<16xi32>], vector<16xf32>,
      %gather3A_483 = tpu.vector_load_idx %arg12[%add3A_5, %broadcast_in_dim3A_480] : memref<32x128xf32, #tpu.memory_space<vmem>>[vector<16xi32>, vector<16xi32>], vector<16xf32>,
      tpu.vector_store_idx %arg14[%iota3A, %broadcast_in_dim3A_481], %gather3A_482 : memref<32x512xf32, #tpu.memory_space<vmem>>[vector<16xi32>, vector<16xi32>], vector<16xf32>,
      tpu.vector_store_idx %arg14[%add3A_5, %broadcast_in_dim3A_481], %gather3A_483 : memref<32x512xf32, #tpu.memory_space<vmem>>[vector<16xi32>, vector<16xi32>], vector<16xf32>,
      %lt3A_484 = arith.constant 31 : i32
      %lt3A_485 = arith.cmpi slt, %scan3A_94, %lt3A_484 : i32
      %convert_element_type3A_486 = arith.extui %lt3A_485 : i1 to i32
      %cond3A_487 = arith.constant 0 : i32
      %cond3A_488 = arith.cmpi ne, %convert_element_type3A_486, %cond3A_487 : i32
      scf.if %cond3A_488 {
        %slice3A_512 = vector.extract_strided_slice %get3A_102 {offsets = [6], sizes = [1], strides = [1]} : vector<16xi32> to vector<1xi32>
        %squeeze3A_513 = vector.extract %slice3A_512[0] : i32 from vector<1xi32>
        %shift_right_arithmetic3A_514 = arith.constant 7 : i32
        %shift_right_arithmetic3A_515 = arith.shrsi %squeeze3A_513, %shift_right_arithmetic3A_514 : i32
        %shift_left3A_516 = arith.constant 7 : i32
        %shift_left3A_517 = arith.shli %shift_right_arithmetic3A_515, %shift_left3A_516 : i32
        %multiple_of3A_518 = tpu.assume_multiple %shift_left3A_517, 128 : i32
        %dma_start3A_519 = arith.constant 0 : i32
        %dma_start3A_520 = tpu.memref_slice %arg3[%dma_start3A_519, %multiple_of3A_518] : memref<32x1000001xf32, #tpu.memory_space<hbm>> -> memref<32x128xf32, #tpu.memory_space<hbm>>
        %dma_start3A_521 = arith.constant 0 : i32
        %dma_start3A_522 = tpu.memref_slice %arg3[%dma_start3A_521, %multiple_of3A_518] : memref<32x1000001xf32, #tpu.memory_space<hbm>> -> memref<32x128xf32, #tpu.memory_space<hbm>>
        tpu.enqueue_dma source(%dma_start3A_522 : memref<32x128xf32, #tpu.memory_space<hbm>>) target(%arg12 : memref<32x128xf32, #tpu.memory_space<vmem>>) target_semaphore(%arg21 : memref<!tpu.dma_semaphore, #tpu.memory_space<semaphore_mem>>)
      } else {
      }
      %mul3A_489 = arith.constant 16 : i32
      %mul3A_490 = arith.muli %scan3A_94, %mul3A_489 : i32
      %add3A_491 = arith.constant 15 : i32
      %add3A_492 = arith.addi %mul3A_490, %add3A_491 : i32
      %dma_wait3A_493 = arith.constant 0 : i32
      %dma_wait3A_494 = arith.constant 0 : i32
      %dma_wait3A_495 = tpu.memref_slice %arg3[%dma_wait3A_493, %dma_wait3A_494] : memref<32x1000001xf32, #tpu.memory_space<hbm>> -> memref<32x128xf32, #tpu.memory_space<hbm>>
      %dma_wait3A_496 = arith.constant 0 : i32
      %dma_wait3A_497 = arith.constant 0 : i32
      %dma_wait3A_498 = tpu.memref_slice %arg3[%dma_wait3A_496, %dma_wait3A_497] : memref<32x1000001xf32, #tpu.memory_space<hbm>> -> memref<32x128xf32, #tpu.memory_space<hbm>>
      tpu.wait_dma2 semaphore(%arg22 : memref<!tpu.dma_semaphore, #tpu.memory_space<semaphore_mem>>) src(%dma_wait3A_498 : memref<32x128xf32, #tpu.memory_space<hbm>>) dst(%arg13 : memref<32x128xf32, #tpu.memory_space<vmem>>)
      %slice3A_499 = vector.extract_strided_slice %scan3A_95 {offsets = [15], sizes = [1], strides = [1]} : vector<16xi32> to vector<1xi32>
      %squeeze3A_500 = vector.extract %slice3A_499[0] : i32 from vector<1xi32>
      %and3A_501 = arith.constant 127 : i32
      %and3A_502 = arith.andi %squeeze3A_500, %and3A_501 : i32
      %broadcast_in_dim3A_503 = vector.broadcast %and3A_502 : i32 to vector<16xi32>
      %broadcast_in_dim3A_504 = vector.broadcast %add3A_492 : i32 to vector<16xi32>
      %gather3A_505 = tpu.vector_load_idx %arg13[%iota3A, %broadcast_in_dim3A_503] : memref<32x128xf32, #tpu.memory_space<vmem>>[vector<16xi32>, vector<16xi32>], vector<16xf32>,
      %gather3A_506 = tpu.vector_load_idx %arg13[%add3A_5, %broadcast_in_dim3A_503] : memref<32x128xf32, #tpu.memory_space<vmem>>[vector<16xi32>, vector<16xi32>], vector<16xf32>,
      tpu.vector_store_idx %arg14[%iota3A, %broadcast_in_dim3A_504], %gather3A_505 : memref<32x512xf32, #tpu.memory_space<vmem>>[vector<16xi32>, vector<16xi32>], vector<16xf32>,
      tpu.vector_store_idx %arg14[%add3A_5, %broadcast_in_dim3A_504], %gather3A_506 : memref<32x512xf32, #tpu.memory_space<vmem>>[vector<16xi32>, vector<16xi32>], vector<16xf32>,
      %lt3A_507 = arith.constant 31 : i32
      %lt3A_508 = arith.cmpi slt, %scan3A_94, %lt3A_507 : i32
      %convert_element_type3A_509 = arith.extui %lt3A_508 : i1 to i32
      %cond3A_510 = arith.constant 0 : i32
      %cond3A_511 = arith.cmpi ne, %convert_element_type3A_509, %cond3A_510 : i32
      scf.if %cond3A_511 {
        %slice3A_512 = vector.extract_strided_slice %get3A_102 {offsets = [7], sizes = [1], strides = [1]} : vector<16xi32> to vector<1xi32>
        %squeeze3A_513 = vector.extract %slice3A_512[0] : i32 from vector<1xi32>
        %shift_right_arithmetic3A_514 = arith.constant 7 : i32
        %shift_right_arithmetic3A_515 = arith.shrsi %squeeze3A_513, %shift_right_arithmetic3A_514 : i32
        %shift_left3A_516 = arith.constant 7 : i32
        %shift_left3A_517 = arith.shli %shift_right_arithmetic3A_515, %shift_left3A_516 : i32
        %multiple_of3A_518 = tpu.assume_multiple %shift_left3A_517, 128 : i32
        %dma_start3A_519 = arith.constant 0 : i32
        %dma_start3A_520 = tpu.memref_slice %arg3[%dma_start3A_519, %multiple_of3A_518] : memref<32x1000001xf32, #tpu.memory_space<hbm>> -> memref<32x128xf32, #tpu.memory_space<hbm>>
        %dma_start3A_521 = arith.constant 0 : i32
        %dma_start3A_522 = tpu.memref_slice %arg3[%dma_start3A_521, %multiple_of3A_518] : memref<32x1000001xf32, #tpu.memory_space<hbm>> -> memref<32x128xf32, #tpu.memory_space<hbm>>
        tpu.enqueue_dma source(%dma_start3A_522 : memref<32x128xf32, #tpu.memory_space<hbm>>) target(%arg13 : memref<32x128xf32, #tpu.memory_space<vmem>>) target_semaphore(%arg22 : memref<!tpu.dma_semaphore, #tpu.memory_space<semaphore_mem>>)
      } else {
      }
      scf.yield %get3A_102 : vector<16xi32>
    }
    %scan3A_93 = arith.constant 32 : i32
    "tpu.region"() ({
      %run_scoped3A = tpu.sem_alloc : memref<!tpu.dma_semaphore, #tpu.memory_space<semaphore_mem>>
      %dma_start3A_94 = arith.constant 0 : i32
      %dma_start3A_95 = tpu.memref_slice %arg4[%dma_start3A_94, %mul3A_2] : memref<32x16384xf32, #tpu.memory_space<hbm>> -> memref<32x512xf32, #tpu.memory_space<hbm>>
      %dma_start3A_96 = arith.constant 0 : i32
      %dma_start3A_97 = tpu.memref_slice %arg4[%dma_start3A_96, %mul3A_2] : memref<32x16384xf32, #tpu.memory_space<hbm>> -> memref<32x512xf32, #tpu.memory_space<hbm>>
      tpu.enqueue_dma source(%arg14 : memref<32x512xf32, #tpu.memory_space<vmem>>) target(%dma_start3A_97 : memref<32x512xf32, #tpu.memory_space<hbm>>) target_semaphore(%run_scoped3A : memref<!tpu.dma_semaphore, #tpu.memory_space<semaphore_mem>>)
      %dma_wait3A = arith.constant 0 : i32
      %dma_wait3A_98 = tpu.memref_slice %arg4[%dma_wait3A, %mul3A_2] : memref<32x16384xf32, #tpu.memory_space<hbm>> -> memref<32x512xf32, #tpu.memory_space<hbm>>
      %dma_wait3A_99 = arith.constant 0 : i32
      %dma_wait3A_100 = tpu.memref_slice %arg4[%dma_wait3A_99, %mul3A_2] : memref<32x16384xf32, #tpu.memory_space<hbm>> -> memref<32x512xf32, #tpu.memory_space<hbm>>
      tpu.wait_dma2 semaphore(%run_scoped3A : memref<!tpu.dma_semaphore, #tpu.memory_space<semaphore_mem>>) src(%arg14 : memref<32x512xf32, #tpu.memory_space<vmem>>) dst(%dma_wait3A_100 : memref<32x512xf32, #tpu.memory_space<hbm>>)
      tpu.yield
    }) : () -> ()
    return
  }
}

</mosaic_0001>

<sc_bundles>
// kernel: _sc_gather.3.cloned.1.call-start
scs
__scs_entry_jumppad:
0x0: {  	(pc) =	sbr.rel $0x88, $3  }
0x1: {  	(tag) =	ssettag $0x0;
	lr =	simm.s32 $0x1  }
0x2: {  	[smem:$0x3F9F] =	sst lr;
	_ =	strace $0xD0000000  }
0x3: {  	_ = 	snop  }
0x4: {  	_ = 	snop  }
0x5: {  	_ = 	snop  }
0x6: {  	_ = 	snop  }
0x7: {  	_ = 	snop  }
__scs_overlays_trampoline_lowered:
0x8: {  	[smem:$0x3FAE] =	sst s0  }
0x9: {  	[smem:$0x3FAF] =	sst s1  }
0xa: {  	[smem:$0x3FB0] =	sst s2  }
0xb: {  	[smem:$0x3FB1] =	sst s3  }
0xc: {  	[smem:$0x3FB2] =	sst s4  }
0xd: {  	[smem:$0x3FB3] =	sst s5  }
0xe: {  	[smem:$0x3FB4] =	sst s6  }
0xf: {  	[smem:$0x3FB5] =	sst s7  }
0x10: {  	[smem:$0x3FB6] =	sst s8  }
0x11: {  	[smem:$0x3FB7] =	sst s9;
	s0 =	simm.s32 @!p0 $0x0  }
0x12: {  	s1 =	sld [smem:$0x3F9D];
	s0 =	simm.s32 @p0 $0x1  }
0x13: {  	[smem:$0x3FB8] =	sst s0;
	s0 =	simm.s32 @!p1 $0x0  }
0x14: {  	s2 =	sld [smem:$0x3F9C];
	s0 =	simm.s32 @p1 $0x1  }
0x15: {  	[smem:$0x3FB9] =	sst s0;
	s0 =	simm.s32 @!p2 $0x0  }
0x16: {  	s3 =	sld [smem:$0x3FDB];
	s0 =	simm.s32 @p2 $0x1  }
0x17: {  	s4 =	simm.s32 $0x1BF5;
	[smem:$0x3FBB] =	sst s0  }
0x18: {  	s0 =	sld [smem:$0x3F9E];
	_ =	swait.ge [sflag:s4], $0x0  }
0x19: {  	s7 =	sld [smem:$0x3F9F]  }
0x1a: {  	s8 =	sadd.s32 $0xFFFFE003, lr  }
0x1b: {  	s9 =	sadd.s32 $0xFFFFFEF7, lr;
	s5 =	simm.s32 $0xFFFFFFFF;
	p2 =	slt.u32 s8, $0xFFFFF086  }
0x1c: {  	p1 =	slt.u32 s9, $0xF7A;
	s5 =	simm.s32 @!p2 $0x0  }
0x1d: {  	s5 =	simm.s32 @p1 $0x1;
	p0 =	seq.s32 s7, s2  }
0x1e: {  	s7 =	smul.u32 @!p0 $0xF7A, s2;
	p2 =	seq.s32 @!p0 s5, $0x0  }
0x1f: {  	s9 =	smul.u32 $0xF7A, s1;
	s8 =	simm.s32 @!p0 $0x1BF5;
	p2 =	por !p2, p0  }
0x20: {  	[sflag:s8] =	ssyncset.s32 @!p0 $0xFFFFF086;
	s6 =	sadd.s32 @!p0 s3, s7;
	s7 =	simm.s32 @!p0 $0x108  }
0x21: {  	s3 =	sadd.s32 s3, s9;
	s6 =	sadd.s32 @!p0 $0x88, s6;
	s7 =	simm.s32 @p2 $0x1082  }
0x22: {  	[simem:s7], [sflag:s8] =	dma.local @!p0 [hbm:s6], $0xF7A  }
0x23: {  	s9 =	sor.u32 $0xD0000000, s2;
	s6 =	simm.s32 $0x108;
	_ =	swait.ge @!p0 [sflag:s8], $0x0  }
0x24: {  	s3 =	sadd.s32 $0x88, s3;
	s6 =	simm.s32 @!p1 $0x1082;
	[sflag:s4] =	ssyncset.s32 $0xFFFFF086  }
0x25: {  	[simem:s6], [sflag:s4] =	dma.local [hbm:s3], $0xF7A  }
0x26: {  	[smem:$0x3F9F] =	sst s1;
	(tag) =	ssettag s2;
	_ =	strace s9  }
0x27: {  	s1 =	sld [smem:$0x3FAF]  }
0x28: {  	s2 =	sld [smem:$0x3FB0]  }
0x29: {  	s4 =	sld [smem:$0x3FB2]  }
0x2a: {  	p0 =	seq.s32 s5, $0x0;
	s5 =	sld [smem:$0x3FB3]  }
0x2b: {  	s6 =	sld [smem:$0x3FB4]  }
0x2c: {  	s7 =	sld [smem:$0x3FB5]  }
0x2d: {  	s3 =	simm.s32 $0x108;
	s8 =	sld [smem:$0x3FB6]  }
0x2e: {  	s3 =	simm.s32 @!p0 $0x1082;
	s9 =	sld [smem:$0x3FB7]  }
0x2f: {  	lr =	sadd.s32 s0, s3;
	s0 =	sld [smem:$0x3FAE]  }
0x30: {  	s3 =	sld [smem:$0x3FB1]  }
0x31: {  	[smem:$0x3FBA] =	sst s10  }
0x32: {  	s10 =	sld [smem:$0x3FB8];
	_ =	sdelay $0x3  }
0x33: {  	p0 =	seq.s32 s10, $0x1;
	s10 =	sld [smem:$0x3FBA];
	_ =	sdelay $0x3  }
0x34: {  	[smem:$0x3FBA] =	sst s10  }
0x35: {  	s10 =	sld [smem:$0x3FB9];
	_ =	sdelay $0x3  }
0x36: {  	p1 =	seq.s32 s10, $0x1;
	s10 =	sld [smem:$0x3FBA];
	_ =	sdelay $0x3  }
0x37: {  	[smem:$0x3FBA] =	sst s10  }
0x38: {  	s10 =	sld [smem:$0x3FBB]  }
0x39: {  	_ = 	snop;
	(pc) =	sbr.ind lr, $3  }
0x3a: {  	_ = 	snop  }
0x3b: {  	_ = 	snop  }
0x3c: {  	p2 =	seq.s32 s10, $0x1;
	s10 =	sld [smem:$0x3FBA]  }
0x3d: {  	_ =	shalt  }
0x3e: {  	_ =	shalt  }
0x3f: {  	_ =	shalt  }
0x40: {  	_ =	shalt  }
0x41: {  	_ =	shalt  }
0x42: {  	_ =	shalt  }
0x43: {  	_ =	shalt  }
0x44: {  	_ =	shalt  }
0x45: {  	_ =	shalt  }
0x46: {  	_ =	shalt  }
0x47: {  	_ =	shalt  }
0x48: {  	_ =	shalt  }
0x49: {  	_ =	shalt  }
0x4a: {  	_ =	shalt  }
0x4b: {  	_ =	shalt  }
0x4c: {  	_ =	shalt  }
0x4d: {  	_ =	shalt  }
0x4e: {  	_ =	shalt  }
0x4f: {  	_ =	shalt  }
0x50: {  	_ =	shalt  }
0x51: {  	_ =	shalt  }
0x52: {  	_ =	shalt  }
0x53: {  	_ =	shalt  }
0x54: {  	_ =	shalt  }
0x55: {  	_ =	shalt  }
0x56: {  	_ =	shalt  }
0x57: {  	_ =	shalt  }
0x58: {  	_ =	shalt  }
0x59: {  	_ =	shalt  }
0x5a: {  	_ =	shalt  }
0x5b: {  	_ =	shalt  }
0x5c: {  	_ =	shalt  }
0x5d: {  	_ =	shalt  }
0x5e: {  	_ =	shalt  }
0x5f: {  	_ =	shalt  }
0x60: {  	_ =	shalt  }
0x61: {  	_ =	shalt  }
0x62: {  	_ =	shalt  }
0x63: {  	_ =	shalt  }
0x64: {  	_ =	shalt  }
0x65: {  	_ =	shalt  }
0x66: {  	_ =	shalt  }
0x67: {  	_ =	shalt  }
0x68: {  	_ =	shalt  }
0x69: {  	_ =	shalt  }
0x6a: {  	_ =	shalt  }
0x6b: {  	_ =	shalt  }
0x6c: {  	_ =	shalt  }
0x6d: {  	_ =	shalt  }
0x6e: {  	_ =	shalt  }
0x6f: {  	_ =	shalt  }
0x70: {  	_ =	shalt  }
0x71: {  	_ =	shalt  }
0x72: {  	_ =	shalt  }
0x73: {  	_ =	shalt  }
0x74: {  	_ =	shalt  }
0x75: {  	_ =	shalt  }
0x76: {  	_ =	shalt  }
0x77: {  	_ =	shalt  }
0x78: {  	_ =	shalt  }
0x79: {  	_ =	shalt  }
0x7a: {  	_ =	shalt  }
0x7b: {  	_ =	shalt  }
0x7c: {  	_ =	shalt  }
0x7d: {  	_ =	shalt  }
0x7e: {  	_ =	shalt  }
0x7f: {  	_ =	shalt  }
0x80: {  	_ =	shalt  }
0x81: {  	_ =	shalt  }
0x82: {  	_ =	shalt  }
0x83: {  	_ =	shalt  }
0x84: {  	_ =	shalt  }
0x85: {  	_ =	shalt  }
0x86: {  	_ =	shalt  }
0x87: {  	_ =	shalt  }
.Lfunc_end0:
.L_simem_size_0:
called_computation_lowered:
.L_overlay_start_0:
0x88: {  	s2 =	sld [smem:$0x3FD9]  }
0x89: {  	s3 =	sld [smem:$0x3FFE];
	_ =	sdelay $0x1  }
0x8a: {  	s1 =	srdreg.scid  }
0x8b: {  	s0 =	sand.u32 $0x1, s1  }
0x8c: {  	s18 =	sshll.u32 s0, $0xA;
	s2 =	sadd.s32 s3, s2  }
0x8d: {  	s2 =	sadd.s32 s2, s18  }
0x8e: {  	[smem:$0x3FC6] =	sst s2  }
0x8f: {  	_ = 	snop  }
0x90: {  	s2 =	sld [smem:$0x3FC9]  }
0x91: {  	s19 =	sld [smem:$0x3FC8]  }
0x92: {  	s4 =	sld [smem:$0x3FD0];
	(tm) =	ssettm $0x1  }
0x93: {  	s5 =	sld [smem:$0x3FFB];
	_ =	sdelay $0x3  }
0x94: {  	_ =	strace s5  }
0x95: {  	s5 =	sld [smem:$0x3FFC];
	_ =	sdelay $0x3  }
0x96: {  	_ =	strace s5  }
0x97: {  	s5 =	sld [smem:$0x3FFD];
	_ =	sdelay $0x3  }
0x98: {  	_ =	strace s5  }
0x99: {  	_ =	strace $0x8FFFFFFF  }
0x9a: {  	s20 =	sld [smem:$0x3FDB];
	_ =	sdelay $0x1  }
0x9b: {  	s6 =	simm.s32 $_scs_section_size  }
0x9c: {  	s7 =	simm.s32 $_size__tile_overlayer_lowered;
	s8 =	simm.s32 $_tile_overlayer_lowered  }
0x9d: {  	s23 =	simm.s32 $0x1BFF;
	s22 =	sshll.u32 s8, $0x1;
	s5 =	sadd.s32 s6, s20  }
0x9e: {  	s9 =	simm.s32 $0x0;
	s21 =	sshll.u32 s7, $0x1;
	s7 =	sadd.s32 s22, s5  }
0x9f: {  	[timem:s9], [sflag:s23] =	dma.local [hbm:s7], s21  }
0xa0: {  	_ =	swait.ge [sflag:s23], s21  }
0xa1: {  	s6 =	ssub.s32 $0x0, s21;
	[sflag:s23] =	ssyncset.done $0x0  }
0xa2: {  	[sflag:s23] =	ssyncadd.s32 s6;
	_ =	sdelay $0x1  }
0xa3: {  	s24 =	simm.s32 $0x1B8B  }
0xa4: {  	_ =	swait.ge [sflag:s24], $0x1  }
0xa5: {  	[sflag:s24] =	ssyncset.done $0x0  }
0xa6: {  	s25 =	simm.s32 $0x1B8E;
	[sflag:s24] =	ssyncadd.s32 $0xFFFFFFFF  }
0xa7: {  	s26 =	simm.s32 $execute0_lowered;
	[smem:$0x3FD2] =	sst s25  }
0xa8: {  	s6 =	sshll.u32 s26, $0x1;
	_ =	strace $0x80000046;
	[dreg:$0x1] =	wrdreg $0xFFFFFFFF  }
0xa9: {  	s28 =	simm.s32 $_size_execute0_lowered;
	s5 =	sadd.s32 s5, s6;
	[dreg:$0x0] =	wrdreg $0x0  }
0xaa: {  	s6 =	sshll.u32 s28, $0x1;
	[dreg:$0x2] =	wrdreg s5  }
0xab: {  	[dreg:$0x3] =	wrdreg s6  }
0xac: {  	[dreg:$0x4] =	wrdreg $0xC0  }
0xad: {  	_ =	task [dreg:s9], $0x5FFFF  }
0xae: {  	[dreg:$0x1] =	wrdreg $0xFFFFFFFF  }
0xaf: {  	[dreg:$0x0] =	wrdreg $0x60  }
0xb0: {  	[dreg:$0x2] =	wrdreg s2  }
0xb1: {  	[dreg:$0x3] =	wrdreg s19  }
0xb2: {  	[dreg:$0x4] =	wrdreg s4  }
0xb3: {  	[dreg:$0x5] =	wrdreg $0x9  }
0xb4: {  	_ =	task.clear_ibuf [dreg:s9], $0x6FFFF;
	_ =	strace $0x90000046  }
0xb5: {  	s29 =	simm.s32 $0x9;
	_ =	strace $0x80000048  }
0xb6: {  	_ =	swait.ge [sflag:s29], $0x1  }
0xb7: {  	[sflag:s29] =	ssyncadd.s32 $0xFFFFFFFF  }
0xb8: {  	_ =	strace $0x90000048  }
0xb9: {  	_ =	sfence  }
0xba: {  	s30 =	sld [smem:$0x0];
	_ =	sdelay $0x2  }
0xbb: {  	s31 =	sshll.u32 s1, $0xD;
	s1 =	sshrl.u32 s1, $0x2  }
0xbc: {  	s3 =	sand.u32 $0x4000, s31;
	s1 =	sadd.s32 s1, s30  }
0xbd: {  	s0 =	sor.u32 s3, s0;
	s1 =	sshll.u32 s1, $0x11  }
0xbe: {  	s0 =	sor.u32 s1, s0  }
0xbf: {  	s0 =	sadd.s32 $0x8F2B, s0  }
0xc0: {  	[sflag:s0] =	ssyncadd.remote.s32 $0x1  }
0xc1: {  	_ =	sfence.sel $0xFFFF  }
0xc2: {  	[dreg:$0x0] =	wrdreg $0xFFFFFFFF;
	(pc) =	sbr.abs _section_cstart, $3  }
0xc3: {  	[dreg:$0x1] =	wrdreg $0xFFFFFFFF  }
0xc4: {  	_ =	task.clear_ibuf [dreg:s9], $0x2FFFF;
	_ =	strace $0x9FFFFFFF  }
0xc5: {  	(tm) =	ssettm $0x7FFFFFFF  }
tec
execute0_lowered:
.L_overlay_start_1:
0x0: {  	(tag) =	ssettag $0x1  }
0x1: {  	v0 =	vlaneseq.u32;
	v1 =	vimm.s32 $0x1380  }
0x2: {  	s1 =	rddreg [dreg:$0x0];
	vm0 =	vcmask $0x300;
	v2 =	vimm.s32 $0x3380;
	vm1 =	vcmask $0x704  }
0x3: {  	s0 =	rddreg [dreg:$0x1];
	vm15 =	vcmask $0xB08;
	v1 =	vsel vm0, $0x0, v1;
	v2 =	vsel vm0, $0x2000, v2  }
0x4: {  	s2 =	rddreg [dreg:$0x2];
	s3 =	srdreg.scid;
	vm4 =	vcmask $0xF0C;
	v1 =	vsel vm1, $0x80, v1;
	v2 =	vsel vm1, $0x2080, v2  }
0x5: {  	s4 =	stileid.u32;
	s6 =	simm.s32 $0x0;
	vm5 =	vcmask $0x1310;
	s8 =	simm.s32 $0x7A1400;
	v1 =	vsel vm15, $0x100, v1;
	v2 =	vsel vm15, $0x2100, v2  }
0x6: {  	vm6 =	vcmask $0x1714;
	s9 =	simm.s32 $0x400;
	s10 =	simm.s32 $0x200;
	s11 =	simm.s32 $0x1200;
	v1 =	vsel vm4, $0x180, v1;
	v2 =	vsel vm4, $0x2180, v2  }
0x7: {  	vm7 =	vcmask $0x1B18;
	s12 =	simm.s32 $0x2200;
	s13 =	simm.s32 $0x3200;
	s14 =	simm.s32 $0x4200;
	v1 =	vsel vm5, $0x200, v1;
	v2 =	vsel vm5, $0x2200, v2  }
0x8: {  	vm8 =	vcmask $0x1F1C;
	s15 =	simm.s32 $0x5200;
	s16 =	simm.s32 $0x6200;
	s17 =	simm.s32 $0x7200;
	v1 =	vsel vm6, $0x280, v1;
	v2 =	vsel vm6, $0x2280, v2  }
0x9: {  	vm9 =	vcmask $0x2320;
	s18 =	simm.s32 $0x1;
	s19 =	simm.s32 $0x8200;
	s20 =	simm.s32 $0x2;
	v1 =	vsel vm7, $0x300, v1;
	v2 =	vsel vm7, $0x2300, v2  }
0xa: {  	vm10 =	vcmask $0x2724;
	s21 =	simm.s32 $0x3;
	s22 =	simm.s32 $0x4;
	s23 =	simm.s32 $0x5;
	v1 =	vsel vm8, $0x380, v1;
	v2 =	vsel vm8, $0x2380, v2  }
0xb: {  	vm11 =	vcmask $0x2B28;
	s24 =	simm.s32 $0x6;
	s25 =	simm.s32 $0x7;
	s3 =	sand.u32 $0x1, s3;
	v1 =	vsel vm9, $0x1000, v1;
	v2 =	vsel vm9, $0x3000, v2  }
0xc: {  	vm12 =	vcmask $0x2F2C;
	s4 =	sshll.u32 s4, $0xA;
	[smem:$0x7FF] =	sst s6;
	s5 =	sshll.u32 s3, $0x9;
	v1 =	vsel vm10, $0x1080, v1;
	v2 =	vsel vm10, $0x3080, v2  }
0xd: {  	vm13 =	vcmask $0x3330;
	s3 =	ssub.s32 $0x2, s3;
	_ =	strace $0x80000047;
	s4 =	sor.u32 s5, s4;
	v1 =	vsel vm11, $0x1100, v1;
	v2 =	vsel vm11, $0x3100, v2  }
0xe: {  	vm14 =	vcmask $0x3734;
	s28 =	sshrl.u32 s3, $0x1;
	s29 =	sshrl.u32 s4, $0x3;
	s30 =	sadd.s32 s2, s4;
	v1 =	vsel vm12, $0x1180, v1;
	v2 =	vsel vm12, $0x3180, v2  }
0xf: {  	v0 =	vmul.u32 $0x80, v0;
	s3 =	ssub.s32 s3, s28;
	s1 =	sadd.s32 s1, s29;
	[dreg:$0x5] =	wrdreg s30;
	v1 =	vsel vm13, $0x1200, v1;
	v2 =	vsel vm13, $0x3200, v2  }
0x10: {  	s26 =	simm.s32 $0x8;
	vm15 =	vcmask $0x3B38;
	s31 =	smax.u32 s3, $0x1;
	[dreg:$0x4] =	wrdreg s1;
	v3 =	vsel vm14, $0x1280, v1;
	v4 =	vsel vm14, $0x3280, v2  }
0x11: {  	s2 =	simm.s32 $0x0;
	s3 =	simm.s32 $0x9;
	[dreg:$0x6] =	wrdreg s31;
	v1 =	vor.u32 $0x800, v0;
	v2 =	vsel vm15, $0x1300, v3;
	v3 =	vsel vm15, $0x3300, v4  }
.LBB2_1:
0x12: {  	[dreg:$0x7] =	wrdreg s2  }
0x13: {  	s1 =	simm.s32 $0x0;
	s6 =	rddreg [dreg:$0x4]  }
0x14: {  	[tilespmem:s1], [sflag:$0x9] =	stream.linear.gather [hbm4b:s6+s1], $0x200, $0x38;
	[tilespmem:$0xC200] =	vst v63  }
0x15: {  	_ =	swait.ge [sflag:s3], $0x200  }
0x16: {  	[sflag:s3] =	ssyncset.done $0x0  }
0x17: {  	[sflag:s3] =	ssyncadd.s32 $0xFFFFFE00  }
0x18: {  	v5 =	vld [tilespmem:$0x0];
	_ =	sdelay $0x4  }
0x19: {  	(v2sf) =	vpush v5, $0x0  }
0x1a: {  	(v2sf) =	vpush v5, $0x1;
	_ =	sdelay $0x1  }
0x1b: {  	(v2sf) =	vpush v5, $0x2;
	_ =	sdelay $0x4  }
0x1c: {  	(v2sf) =	vpush v5, $0x3  }
0x1d: {  	(v2sf) =	vpush v5, $0x4;
	_ =	sdelay $0x5  }
0x1e: {  	s7 =	spop (v2sf);
	(v2sf) =	vpush v5, $0x5  }
0x1f: {  	s28 =	spop (v2sf);
	(v2sf) =	vpush v5, $0x6  }
0x20: {  	s1 =	sand.u32 $0xFFFFF80, s7  }
0x21: {  	s1 =	sadd.s32 s0, s1;
	s29 =	spop (v2sf)  }
0x22: {  	(v2sf) =	vpush v5, $0x7;
	[tilespmem:s10], [sflag:$0x1] =	stream.strided.gather [hbm4b:s1+s9], $0x1000, s8, s9, $0x38;
	[tilespmem:$0xC200] =	vst v63  }
0x23: {  	s1 =	sand.u32 $0xFFFFF80, s28  }
0x24: {  	s1 =	sadd.s32 s0, s1  }
0x25: {  	[tilespmem:s11], [sflag:$0x2] =	stream.strided.gather [hbm4b:s1+s9], $0x1000, s8, s9, $0x38;
	[tilespmem:$0xC200] =	vst v63  }
0x26: {  	s30 =	spop (v2sf);
	s1 =	sand.u32 $0xFFFFF80, s29  }
0x27: {  	s3 =	sand.u32 $0xFFFFF80, s30;
	s4 =	spop (v2sf);
	s1 =	sadd.s32 s0, s1  }
0x28: {  	[tilespmem:s12], [sflag:$0x3] =	stream.strided.gather [hbm4b:s1+s9], $0x1000, s8, s9, $0x38;
	[tilespmem:$0xC200] =	vst v63  }
0x29: {  	s5 =	sand.u32 $0xFFFFF80, s4;
	s1 =	sadd.s32 s0, s3  }
0x2a: {  	[tilespmem:s13], [sflag:$0x4] =	stream.strided.gather [hbm4b:s1+s9], $0x1000, s8, s9, $0x38;
	[tilespmem:$0xC200] =	vst v63  }
0x2b: {  	s1 =	sadd.s32 s0, s5  }
0x2c: {  	[tilespmem:s14], [sflag:$0x5] =	stream.strided.gather [hbm4b:s1+s9], $0x1000, s8, s9, $0x38;
	[tilespmem:$0xC200] =	vst v63  }
0x2d: {  	s6 =	spop (v2sf)  }
0x2e: {  	s7 =	sand.u32 $0xFFFFF80, s6;
	s28 =	spop (v2sf)  }
0x2f: {  	s1 =	sadd.s32 s0, s7;
	s29 =	sand.u32 $0xFFFFF80, s28  }
0x30: {  	[tilespmem:s15], [sflag:$0x6] =	stream.strided.gather [hbm4b:s1+s9], $0x1000, s8, s9, $0x38;
	[tilespmem:$0xC200] =	vst v63  }
0x31: {  	s30 =	spop (v2sf);
	s1 =	sadd.s32 s0, s29  }
0x32: {  	[tilespmem:s16], [sflag:$0x7] =	stream.strided.gather [hbm4b:s1+s9], $0x1000, s8, s9, $0x38;
	[tilespmem:$0xC200] =	vst v63  }
0x33: {  	s1 =	sand.u32 $0xFFFFF80, s30  }
0x34: {  	s1 =	sadd.s32 s0, s1  }
0x35: {  	[tilespmem:s17], [sflag:$0x8] =	stream.strided.gather [hbm4b:s1+s9], $0x1000, s8, s9, $0x38;
	[tilespmem:$0xC200] =	vst v63  }
0x36: {  	s31 =	simm.s32 $0xF;
	s1 =	simm.s32 $0x1  }
.LBB2_2:
0x37: {  	s2 =	smin.u32 s1, $0x1F  }
0x38: {  	s2 =	sshll.u32 s2, $0x4  }
0x39: {  	v4 =	vld [tilespmem:s2+$0x0];
	_ =	swait.ge [sflag:s18], $0x1000  }
0x3a: {  	(v2sf) =	vpush v5, $0x0;
	_ =	sdelay $0xa  }
0x3b: {  	(v2sf) =	vpush v5, $0x8;
	_ =	sdelay $0x3  }
0x3c: {  	s30 =	spop (v2sf)  }
0x3d: {  	s2 =	sand.u32 $0x7F, s30  }
0x3e: {  	s3 =	sadd.s32 $0xFFFFFFF1, s31;
	v6 =	vor.u32 s2, v0  }
0x3f: {  	v7 =	vmov s3;
	v8 =	vor.u32 s2, v1  }
0x40: {  	v9 =	vshll.u32 v7, $0x3  }
0x41: {  	v7 =	vand.u32 $0x70, v7;
	[sflag:s18] =	ssyncset.done $0x0;
	v9 =	vand.u32 $0xC00, v9  }
0x42: {  	[sflag:s18] =	ssyncadd.s32 $0xFFFFF000;
	v7 =	vor.u32 v7, v9  }
0x43: {  	v9 =	vor.u32 v2, v7;
	v6 =	vld.idx.msk [tilespmem:v6+s10+$0x0], $0xffff  }
0x44: {  	v7 =	vor.u32 v3, v7;
	v8 =	vld.idx.msk [tilespmem:v8+s10+$0x0], $0xffff;
	_ =	sdelay $0x2  }
0x45: {  	s28 =	spop (v2sf)  }
0x46: {  	s3 =	sand.u32 $0xFFFFF80, s28;
	[tilespmem:v9+s19+$0x0] =	vst.idx.msk $0xffff, v6  }
0x47: {  	s2 =	sadd.s32 s0, s3;
	[tilespmem:v7+s19+$0x0] =	vst.idx.msk $0xffff, v8  }
0x48: {  	[tilespmem:s10], [sflag:$0x1] =	stream.strided.gather [hbm4b:s2+s9], $0x1000, s8, s9, $0x38;
	[tilespmem:$0xC200] =	vst v63  }
0x49: {  	_ =	swait.ge [sflag:s20], $0x1000  }
0x4a: {  	(v2sf) =	vpush v5, $0x1;
	_ =	sdelay $0xa  }
0x4b: {  	(v2sf) =	vpush v5, $0x9;
	_ =	sdelay $0x3  }
0x4c: {  	s4 =	spop (v2sf)  }
0x4d: {  	s2 =	sand.u32 $0x7F, s4  }
0x4e: {  	s5 =	sadd.s32 $0xFFFFFFF2, s31;
	v6 =	vor.u32 s2, v0  }
0x4f: {  	v7 =	vmov s5;
	v43 =	vor.u32 s2, v1  }
0x50: {  	v44 =	vshll.u32 v7, $0x3  }
0x51: {  	v7 =	vand.u32 $0x71, v7;
	v9 =	vand.u32 $0xC00, v44;
	[sflag:s20] =	ssyncset.done $0x0  }
0x52: {  	v7 =	vor.u32 v7, v9;
	[sflag:s20] =	ssyncadd.s32 $0xFFFFF000  }
0x53: {  	v9 =	vor.u32 v2, v7;
	v6 =	vld.idx.msk [tilespmem:v6+s11+$0x0], $0xffff  }
0x54: {  	v7 =	vor.u32 v3, v7;
	v8 =	vld.idx.msk [tilespmem:v43+s11+$0x0], $0xffff;
	_ =	sdelay $0x2  }
0x55: {  	s2 =	spop (v2sf)  }
0x56: {  	s6 =	sand.u32 $0xFFFFF80, s2;
	[tilespmem:v9+s19+$0x0] =	vst.idx.msk $0xffff, v6  }
0x57: {  	s3 =	sadd.s32 s0, s6;
	[tilespmem:v7+s19+$0x0] =	vst.idx.msk $0xffff, v8  }
0x58: {  	[tilespmem:s11], [sflag:$0x2] =	stream.strided.gather [hbm4b:s3+s9], $0x1000, s8, s9, $0x38;
	[tilespmem:$0xC200] =	vst v63  }
0x59: {  	_ =	swait.ge [sflag:s21], $0x1000  }
0x5a: {  	(v2sf) =	vpush v5, $0x2;
	_ =	sdelay $0xa  }
0x5b: {  	(v2sf) =	vpush v5, $0xA;
	_ =	sdelay $0x3  }
0x5c: {  	s7 =	spop (v2sf)  }
0x5d: {  	s3 =	sand.u32 $0x7F, s7  }
0x5e: {  	s4 =	sadd.s32 $0xFFFFFFF3, s31;
	v6 =	vor.u32 s3, v0  }
0x5f: {  	v7 =	vmov s4;
	v45 =	vor.u32 s3, v1  }
0x60: {  	v46 =	vshll.u32 v7, $0x3  }
0x61: {  	v7 =	vand.u32 $0x72, v7;
	v9 =	vand.u32 $0xC00, v46;
	[sflag:s21] =	ssyncset.done $0x0  }
0x62: {  	v7 =	vor.u32 v7, v9;
	[sflag:s21] =	ssyncadd.s32 $0xFFFFF000  }
0x63: {  	v9 =	vor.u32 v2, v7;
	v6 =	vld.idx.msk [tilespmem:v6+s12+$0x0], $0xffff  }
0x64: {  	v7 =	vor.u32 v3, v7;
	v8 =	vld.idx.msk [tilespmem:v45+s12+$0x0], $0xffff;
	_ =	sdelay $0x2  }
0x65: {  	s3 =	spop (v2sf)  }
0x66: {  	s11 =	sand.u32 $0xFFFFF80, s3;
	[tilespmem:v9+s19+$0x0] =	vst.idx.msk $0xffff, v6  }
0x67: {  	s4 =	sadd.s32 s0, s11;
	[tilespmem:v7+s19+$0x0] =	vst.idx.msk $0xffff, v8  }
0x68: {  	[tilespmem:s12], [sflag:$0x3] =	stream.strided.gather [hbm4b:s4+s9], $0x1000, s8, s9, $0x38;
	[tilespmem:$0xC200] =	vst v63  }
0x69: {  	_ =	swait.ge [sflag:s22], $0x1000  }
0x6a: {  	(v2sf) =	vpush v5, $0x3;
	_ =	sdelay $0xa  }
0x6b: {  	(v2sf) =	vpush v5, $0xB;
	_ =	sdelay $0x3  }
0x6c: {  	s29 =	spop (v2sf)  }
0x6d: {  	s4 =	sand.u32 $0x7F, s29  }
0x6e: {  	s5 =	sadd.s32 $0xFFFFFFF4, s31;
	v6 =	vor.u32 s4, v0  }
0x6f: {  	v7 =	vmov s5;
	v47 =	vor.u32 s4, v1  }
0x70: {  	v48 =	vshll.u32 v7, $0x3  }
0x71: {  	v7 =	vand.u32 $0x73, v7;
	v9 =	vand.u32 $0xC00, v48;
	[sflag:s22] =	ssyncset.done $0x0  }
0x72: {  	v7 =	vor.u32 v7, v9;
	[sflag:s22] =	ssyncadd.s32 $0xFFFFF000  }
0x73: {  	v9 =	vor.u32 v2, v7;
	v6 =	vld.idx.msk [tilespmem:v6+s13+$0x0], $0xffff  }
0x74: {  	v7 =	vor.u32 v3, v7;
	v8 =	vld.idx.msk [tilespmem:v47+s13+$0x0], $0xffff;
	_ =	sdelay $0x2  }
0x75: {  	s29 =	spop (v2sf)  }
0x76: {  	s30 =	sand.u32 $0xFFFFF80, s29;
	[tilespmem:v9+s19+$0x0] =	vst.idx.msk $0xffff, v6  }
0x77: {  	s4 =	sadd.s32 s0, s30;
	[tilespmem:v7+s19+$0x0] =	vst.idx.msk $0xffff, v8  }
0x78: {  	[tilespmem:s13], [sflag:$0x4] =	stream.strided.gather [hbm4b:s4+s9], $0x1000, s8, s9, $0x38;
	[tilespmem:$0xC200] =	vst v63  }
0x79: {  	_ =	swait.ge [sflag:s23], $0x1000  }
0x7a: {  	(v2sf) =	vpush v5, $0x4;
	_ =	sdelay $0xa  }
0x7b: {  	(v2sf) =	vpush v5, $0xC;
	_ =	sdelay $0x3  }
0x7c: {  	s5 =	spop (v2sf)  }
0x7d: {  	s4 =	sand.u32 $0x7F, s5  }
0x7e: {  	s6 =	sadd.s32 $0xFFFFFFF5, s31;
	v6 =	vor.u32 s4, v0  }
0x7f: {  	v7 =	vmov s6;
	v49 =	vor.u32 s4, v1  }
0x80: {  	v50 =	vshll.u32 v7, $0x3  }
0x81: {  	v7 =	vand.u32 $0x74, v7;
	v9 =	vand.u32 $0xC00, v50;
	[sflag:s23] =	ssyncset.done $0x0  }
0x82: {  	v7 =	vor.u32 v7, v9;
	[sflag:s23] =	ssyncadd.s32 $0xFFFFF000  }
0x83: {  	v9 =	vor.u32 v2, v7;
	v6 =	vld.idx.msk [tilespmem:v6+s14+$0x0], $0xffff  }
0x84: {  	v7 =	vor.u32 v3, v7;
	v8 =	vld.idx.msk [tilespmem:v49+s14+$0x0], $0xffff;
	_ =	sdelay $0x2  }
0x85: {  	s4 =	spop (v2sf)  }
0x86: {  	s7 =	sand.u32 $0xFFFFF80, s4;
	[tilespmem:v9+s19+$0x0] =	vst.idx.msk $0xffff, v6  }
0x87: {  	s5 =	sadd.s32 s0, s7;
	[tilespmem:v7+s19+$0x0] =	vst.idx.msk $0xffff, v8  }
0x88: {  	[tilespmem:s14], [sflag:$0x5] =	stream.strided.gather [hbm4b:s5+s9], $0x1000, s8, s9, $0x38;
	[tilespmem:$0xC200] =	vst v63  }
0x89: {  	_ =	swait.ge [sflag:s24], $0x1000  }
0x8a: {  	(v2sf) =	vpush v5, $0x5;
	_ =	sdelay $0xa  }
0x8b: {  	(v2sf) =	vpush v5, $0xD;
	_ =	sdelay $0x3  }
0x8c: {  	s11 =	spop (v2sf)  }
0x8d: {  	s5 =	sand.u32 $0x7F, s11  }
0x8e: {  	s6 =	sadd.s32 $0xFFFFFFF6, s31;
	v6 =	vor.u32 s5, v0  }
0x8f: {  	v7 =	vmov s6;
	v51 =	vor.u32 s5, v1  }
0x90: {  	v52 =	vshll.u32 v7, $0x3  }
0x91: {  	v7 =	vand.u32 $0x75, v7;
	v9 =	vand.u32 $0xC00, v52;
	[sflag:s24] =	ssyncset.done $0x0  }
0x92: {  	v7 =	vor.u32 v7, v9;
	[sflag:s24] =	ssyncadd.s32 $0xFFFFF000  }
0x93: {  	v9 =	vor.u32 v2, v7;
	v6 =	vld.idx.msk [tilespmem:v6+s15+$0x0], $0xffff  }
0x94: {  	v7 =	vor.u32 v3, v7;
	v8 =	vld.idx.msk [tilespmem:v51+s15+$0x0], $0xffff;
	_ =	sdelay $0x2  }
0x95: {  	s5 =	spop (v2sf)  }
0x96: {  	s30 =	sand.u32 $0xFFFFF80, s5;
	[tilespmem:v9+s19+$0x0] =	vst.idx.msk $0xffff, v6  }
0x97: {  	s6 =	sadd.s32 s0, s30;
	[tilespmem:v7+s19+$0x0] =	vst.idx.msk $0xffff, v8  }
0x98: {  	[tilespmem:s15], [sflag:$0x6] =	stream.strided.gather [hbm4b:s6+s9], $0x1000, s8, s9, $0x38;
	[tilespmem:$0xC200] =	vst v63  }
0x99: {  	_ =	swait.ge [sflag:s25], $0x1000  }
0x9a: {  	(v2sf) =	vpush v5, $0x6;
	_ =	sdelay $0xa  }
0x9b: {  	(v2sf) =	vpush v5, $0xE;
	_ =	sdelay $0x3  }
0x9c: {  	s7 =	spop (v2sf)  }
0x9d: {  	s6 =	sand.u32 $0x7F, s7  }
0x9e: {  	s7 =	sadd.s32 $0xFFFFFFF7, s31;
	v6 =	vor.u32 s6, v0  }
0x9f: {  	v7 =	vmov s7;
	v53 =	vor.u32 s6, v1  }
0xa0: {  	v54 =	vshll.u32 v7, $0x3  }
0xa1: {  	[sflag:s25] =	ssyncset.done $0x0;
	v7 =	vand.u32 $0x76, v7;
	v9 =	vand.u32 $0xC00, v54  }
0xa2: {  	[sflag:s25] =	ssyncadd.s32 $0xFFFFF000;
	v7 =	vor.u32 v7, v9  }
0xa3: {  	v9 =	vor.u32 v2, v7;
	v6 =	vld.idx.msk [tilespmem:v6+s16+$0x0], $0xffff  }
0xa4: {  	v7 =	vor.u32 v3, v7;
	v8 =	vld.idx.msk [tilespmem:v53+s16+$0x0], $0xffff;
	_ =	sdelay $0x2  }
0xa5: {  	s6 =	spop (v2sf)  }
0xa6: {  	s11 =	sand.u32 $0xFFFFF80, s6;
	[tilespmem:v9+s19+$0x0] =	vst.idx.msk $0xffff, v6  }
0xa7: {  	s7 =	sadd.s32 s0, s11;
	[tilespmem:v7+s19+$0x0] =	vst.idx.msk $0xffff, v8  }
0xa8: {  	[tilespmem:s16], [sflag:$0x7] =	stream.strided.gather [hbm4b:s7+s9], $0x1000, s8, s9, $0x38;
	[tilespmem:$0xC200] =	vst v63  }
0xa9: {  	_ =	swait.ge [sflag:s26], $0x1000  }
0xaa: {  	(v2sf) =	vpush v5, $0x7;
	_ =	sdelay $0xa  }
0xab: {  	(v2sf) =	vpush v5, $0xF;
	_ =	sdelay $0x3  }
0xac: {  	s30 =	spop (v2sf)  }
0xad: {  	s7 =	sand.u32 $0x7F, s30  }
0xae: {  	s30 =	sadd.s32 $0xFFFFFFF8, s31;
	v5 =	vor.u32 s7, v0  }
0xaf: {  	v6 =	vmov s30;
	v7 =	vor.u32 s7, v1  }
0xb0: {  	v55 =	vshll.u32 v6, $0x3  }
0xb1: {  	[sflag:s26] =	ssyncset.done $0x0;
	v6 =	vand.u32 $0x77, v6;
	v8 =	vand.u32 $0xC00, v55  }
0xb2: {  	[sflag:s26] =	ssyncadd.s32 $0xFFFFF000;
	v6 =	vor.u32 v6, v8  }
0xb3: {  	v8 =	vor.u32 v2, v6;
	v5 =	vld.idx.msk [tilespmem:v5+s17+$0x0], $0xffff  }
0xb4: {  	v6 =	vor.u32 v3, v6;
	v7 =	vld.idx.msk [tilespmem:v7+s17+$0x0], $0xffff;
	_ =	sdelay $0x2  }
0xb5: {  	s7 =	spop (v2sf)  }
0xb6: {  	s11 =	sand.u32 $0xFFFFF80, s7;
	[tilespmem:v8+s19+$0x0] =	vst.idx.msk $0xffff, v5  }
0xb7: {  	s30 =	sadd.s32 s0, s11;
	[tilespmem:v6+s19+$0x0] =	vst.idx.msk $0xffff, v7  }
0xb8: {  	[tilespmem:s17], [sflag:$0x8] =	stream.strided.gather [hbm4b:s30+s9], $0x1000, s8, s9, $0x38;
	[tilespmem:$0xC200] =	vst v63  }
0xb9: {  	p0 =	seq.s32 s31, $0x1FF;
	_ =	swait.ge [sflag:s18], $0x1000  }
0xba: {  	(v2sf) =	vpush @!p0 v4, $0x0;
	_ =	sdelay $0x4  }
0xbb: {  	s28 =	sand.u32 $0x7F, s28  }
0xbc: {  	s11 =	sadd.s32 $0xFFFFFFF9, s31;
	v5 =	vor.u32 s28, v0  }
0xbd: {  	v6 =	vmov s11;
	v7 =	vor.u32 s28, v1  }
0xbe: {  	v56 =	vshll.u32 v6, $0x3  }
0xbf: {  	v6 =	vand.u32 $0x78, v6;
	v8 =	vand.u32 $0xC00, v56;
	[sflag:s18] =	ssyncset.done $0x0  }
0xc0: {  	v6 =	vor.u32 v6, v8;
	[sflag:s18] =	ssyncadd.s32 $0xFFFFF000  }
0xc1: {  	v8 =	vor.u32 v2, v6;
	v5 =	vld.idx.msk [tilespmem:v5+s10+$0x0], $0xffff  }
0xc2: {  	v6 =	vor.u32 v3, v6;
	v7 =	vld.idx.msk [tilespmem:v7+s10+$0x0], $0xffff;
	_ =	sdelay $0x2  }
0xc3: {  	s28 =	spop @!p0 (v2sf)  }
0xc4: {  	s11 =	simm.s32 @!p0 $0x200;
	[tilespmem:v8+s19+$0x0] =	vst.idx.msk $0xffff, v5;
	s28 =	sand.u32 @!p0 $0xFFFFF80, s28  }
0xc5: {  	s30 =	simm.s32 @!p0 $0x7A1400;
	[tilespmem:v6+s19+$0x0] =	vst.idx.msk $0xffff, v7;
	s10 =	sadd.s32 @!p0 s0, s28;
	s28 =	simm.s32 @!p0 $0x400  }
0xc6: {  	[tilespmem:s11], [sflag:$0x1] =	stream.strided.gather @!p0 [hbm4b:s10+s28], $0x1000, s30, s28, $0x38;
	[tilespmem:$0xC200] =	vst v63  }
0xc7: {  	_ =	swait.ge [sflag:s20], $0x1000  }
0xc8: {  	(v2sf) =	vpush @!p0 v4, $0x1;
	_ =	sdelay $0x4  }
0xc9: {  	s2 =	sand.u32 $0x7F, s2  }
0xca: {  	v5 =	vor.u32 s2, v0;
	s10 =	sadd.s32 $0xFFFFFFFA, s31  }
0xcb: {  	v7 =	vor.u32 s2, v1;
	v6 =	vmov s10  }
0xcc: {  	v57 =	vshll.u32 v6, $0x3  }
0xcd: {  	[sflag:s20] =	ssyncset.done $0x0;
	v6 =	vand.u32 $0x79, v6;
	v8 =	vand.u32 $0xC00, v57  }
0xce: {  	s11 =	simm.s32 $0x1200;
	[sflag:s20] =	ssyncadd.s32 $0xFFFFF000;
	v6 =	vor.u32 v6, v8  }
0xcf: {  	v5 =	vld.idx.msk [tilespmem:v5+s11+$0x0], $0xffff;
	v8 =	vor.u32 v2, v6  }
0xd0: {  	v7 =	vld.idx.msk [tilespmem:v7+s11+$0x0], $0xffff;
	v6 =	vor.u32 v3, v6;
	_ =	sdelay $0x2  }
0xd1: {  	s2 =	spop @!p0 (v2sf)  }
0xd2: {  	[tilespmem:v8+s19+$0x0] =	vst.idx.msk $0xffff, v5;
	s2 =	sand.u32 @!p0 $0xFFFFF80, s2  }
0xd3: {  	s10 =	simm.s32 @!p0 $0x1200;
	[tilespmem:v6+s19+$0x0] =	vst.idx.msk $0xffff, v7;
	s2 =	sadd.s32 @!p0 s0, s2  }
0xd4: {  	[tilespmem:s10], [sflag:$0x2] =	stream.strided.gather @!p0 [hbm4b:s2+s28], $0x1000, s30, s28, $0x38;
	[tilespmem:$0xC200] =	vst v63  }
0xd5: {  	_ =	swait.ge [sflag:s21], $0x1000  }
0xd6: {  	(v2sf) =	vpush @!p0 v4, $0x2;
	_ =	sdelay $0x4  }
0xd7: {  	s2 =	sand.u32 $0x7F, s3  }
0xd8: {  	s3 =	sadd.s32 $0xFFFFFFFB, s31;
	v5 =	vor.u32 s2, v0  }
0xd9: {  	v6 =	vmov s3;
	v7 =	vor.u32 s2, v1  }
0xda: {  	v58 =	vshll.u32 v6, $0x3  }
0xdb: {  	[sflag:s21] =	ssyncset.done $0x0;
	v6 =	vand.u32 $0x7A, v6;
	v8 =	vand.u32 $0xC00, v58  }
0xdc: {  	[sflag:s21] =	ssyncadd.s32 $0xFFFFF000;
	v6 =	vor.u32 v6, v8  }
0xdd: {  	v8 =	vor.u32 v2, v6;
	v5 =	vld.idx.msk [tilespmem:v5+s12+$0x0], $0xffff  }
0xde: {  	v6 =	vor.u32 v3, v6;
	v7 =	vld.idx.msk [tilespmem:v7+s12+$0x0], $0xffff;
	_ =	sdelay $0x2  }
0xdf: {  	s2 =	spop @!p0 (v2sf)  }
0xe0: {  	[tilespmem:v8+s19+$0x0] =	vst.idx.msk $0xffff, v5;
	s2 =	sand.u32 @!p0 $0xFFFFF80, s2  }
0xe1: {  	s3 =	simm.s32 @!p0 $0x2200;
	[tilespmem:v6+s19+$0x0] =	vst.idx.msk $0xffff, v7;
	s2 =	sadd.s32 @!p0 s0, s2  }
0xe2: {  	[tilespmem:s3], [sflag:$0x3] =	stream.strided.gather @!p0 [hbm4b:s2+s28], $0x1000, s30, s28, $0x38;
	[tilespmem:$0xC200] =	vst v63  }
0xe3: {  	_ =	swait.ge [sflag:s22], $0x1000  }
0xe4: {  	(v2sf) =	vpush @!p0 v4, $0x3;
	_ =	sdelay $0x4  }
0xe5: {  	s2 =	sand.u32 $0x7F, s29  }
0xe6: {  	s29 =	sadd.s32 $0xFFFFFFFC, s31;
	v5 =	vor.u32 s2, v0  }
0xe7: {  	v6 =	vmov s29;
	v7 =	vor.u32 s2, v1  }
0xe8: {  	v59 =	vshll.u32 v6, $0x3  }
0xe9: {  	[sflag:s22] =	ssyncset.done $0x0;
	v6 =	vand.u32 $0x7B, v6;
	v8 =	vand.u32 $0xC00, v59  }
0xea: {  	[sflag:s22] =	ssyncadd.s32 $0xFFFFF000;
	v6 =	vor.u32 v6, v8  }
0xeb: {  	v8 =	vor.u32 v2, v6;
	v5 =	vld.idx.msk [tilespmem:v5+s13+$0x0], $0xffff  }
0xec: {  	v6 =	vor.u32 v3, v6;
	v7 =	vld.idx.msk [tilespmem:v7+s13+$0x0], $0xffff;
	_ =	sdelay $0x2  }
0xed: {  	s2 =	spop @!p0 (v2sf)  }
0xee: {  	[tilespmem:v8+s19+$0x0] =	vst.idx.msk $0xffff, v5;
	s2 =	sand.u32 @!p0 $0xFFFFF80, s2  }
0xef: {  	s3 =	simm.s32 @!p0 $0x3200;
	[tilespmem:v6+s19+$0x0] =	vst.idx.msk $0xffff, v7;
	s2 =	sadd.s32 @!p0 s0, s2  }
0xf0: {  	[tilespmem:s3], [sflag:$0x4] =	stream.strided.gather @!p0 [hbm4b:s2+s28], $0x1000, s30, s28, $0x38;
	[tilespmem:$0xC200] =	vst v63  }
0xf1: {  	_ =	swait.ge [sflag:s23], $0x1000  }
0xf2: {  	(v2sf) =	vpush @!p0 v4, $0x4;
	_ =	sdelay $0x4  }
0xf3: {  	s29 =	sand.u32 $0x7F, s4  }
0xf4: {  	s4 =	sadd.s32 $0xFFFFFFFD, s31;
	v5 =	vor.u32 s29, v0  }
0xf5: {  	v6 =	vmov s4;
	v7 =	vor.u32 s29, v1  }
0xf6: {  	v60 =	vshll.u32 v6, $0x3  }
0xf7: {  	v6 =	vand.u32 $0x7C, v6;
	v8 =	vand.u32 $0xC00, v60;
	[sflag:s23] =	ssyncset.done $0x0  }
0xf8: {  	v6 =	vor.u32 v6, v8;
	[sflag:s23] =	ssyncadd.s32 $0xFFFFF000  }
0xf9: {  	v8 =	vor.u32 v2, v6;
	v5 =	vld.idx.msk [tilespmem:v5+s14+$0x0], $0xffff  }
0xfa: {  	v6 =	vor.u32 v3, v6;
	v7 =	vld.idx.msk [tilespmem:v7+s14+$0x0], $0xffff;
	_ =	sdelay $0x2  }
0xfb: {  	s2 =	spop @!p0 (v2sf)  }
0xfc: {  	[tilespmem:v8+s19+$0x0] =	vst.idx.msk $0xffff, v5;
	s2 =	sand.u32 @!p0 $0xFFFFF80, s2  }
0xfd: {  	s3 =	simm.s32 @!p0 $0x4200;
	[tilespmem:v6+s19+$0x0] =	vst.idx.msk $0xffff, v7;
	s2 =	sadd.s32 @!p0 s0, s2  }
0xfe: {  	[tilespmem:s3], [sflag:$0x5] =	stream.strided.gather @!p0 [hbm4b:s2+s28], $0x1000, s30, s28, $0x38;
	[tilespmem:$0xC200] =	vst v63  }
0xff: {  	_ =	swait.ge [sflag:s24], $0x1000  }
0x100: {  	(v2sf) =	vpush @!p0 v4, $0x5;
	_ =	sdelay $0x4  }
0x101: {  	s29 =	sand.u32 $0x7F, s5  }
0x102: {  	s4 =	sadd.s32 $0xFFFFFFFE, s31;
	v5 =	vor.u32 s29, v0  }
0x103: {  	v6 =	vmov s4;
	v7 =	vor.u32 s29, v1  }
0x104: {  	v61 =	vshll.u32 v6, $0x3  }
0x105: {  	v6 =	vand.u32 $0x7D, v6;
	v8 =	vand.u32 $0xC00, v61;
	[sflag:s24] =	ssyncset.done $0x0  }
0x106: {  	v6 =	vor.u32 v6, v8;
	[sflag:s24] =	ssyncadd.s32 $0xFFFFF000  }
0x107: {  	v8 =	vor.u32 v2, v6;
	v5 =	vld.idx.msk [tilespmem:v5+s15+$0x0], $0xffff  }
0x108: {  	v6 =	vor.u32 v3, v6;
	v7 =	vld.idx.msk [tilespmem:v7+s15+$0x0], $0xffff;
	_ =	sdelay $0x2  }
0x109: {  	s2 =	spop @!p0 (v2sf)  }
0x10a: {  	[tilespmem:v8+s19+$0x0] =	vst.idx.msk $0xffff, v5;
	s2 =	sand.u32 @!p0 $0xFFFFF80, s2  }
0x10b: {  	s3 =	simm.s32 @!p0 $0x5200;
	[tilespmem:v6+s19+$0x0] =	vst.idx.msk $0xffff, v7;
	s2 =	sadd.s32 @!p0 s0, s2  }
0x10c: {  	[tilespmem:s3], [sflag:$0x6] =	stream.strided.gather @!p0 [hbm4b:s2+s28], $0x1000, s30, s28, $0x38;
	[tilespmem:$0xC200] =	vst v63  }
0x10d: {  	_ =	swait.ge [sflag:s25], $0x1000  }
0x10e: {  	(v2sf) =	vpush @!p0 v4, $0x6;
	_ =	sdelay $0x4  }
0x10f: {  	s5 =	sand.u32 $0x7F, s6  }
0x110: {  	s6 =	sadd.s32 $0xFFFFFFFF, s31;
	v5 =	vor.u32 s5, v0  }
0x111: {  	v6 =	vmov s6;
	v7 =	vor.u32 s5, v1  }
0x112: {  	v62 =	vshll.u32 v6, $0x3  }
0x113: {  	v6 =	vand.u32 $0x7E, v6;
	v8 =	vand.u32 $0xC00, v62;
	[sflag:s25] =	ssyncset.done $0x0  }
0x114: {  	v6 =	vor.u32 v6, v8;
	[sflag:s25] =	ssyncadd.s32 $0xFFFFF000  }
0x115: {  	v8 =	vor.u32 v2, v6;
	v5 =	vld.idx.msk [tilespmem:v5+s16+$0x0], $0xffff  }
0x116: {  	v6 =	vor.u32 v3, v6;
	v7 =	vld.idx.msk [tilespmem:v7+s16+$0x0], $0xffff;
	_ =	sdelay $0x2  }
0x117: {  	s2 =	spop @!p0 (v2sf)  }
0x118: {  	[tilespmem:v8+s19+$0x0] =	vst.idx.msk $0xffff, v5;
	s2 =	sand.u32 @!p0 $0xFFFFF80, s2  }
0x119: {  	s3 =	simm.s32 @!p0 $0x6200;
	[tilespmem:v6+s19+$0x0] =	vst.idx.msk $0xffff, v7;
	s2 =	sadd.s32 @!p0 s0, s2  }
0x11a: {  	[tilespmem:s3], [sflag:$0x7] =	stream.strided.gather @!p0 [hbm4b:s2+s28], $0x1000, s30, s28, $0x38;
	[tilespmem:$0xC200] =	vst v63  }
0x11b: {  	_ =	swait.ge [sflag:s26], $0x1000  }
0x11c: {  	(v2sf) =	vpush @!p0 v4, $0x7;
	_ =	sdelay $0x4  }
0x11d: {  	s29 =	sand.u32 $0x7F, s7  }
0x11e: {  	v5 =	vor.u32 s29, v0  }
0x11f: {  	v6 =	vmov s31;
	v7 =	vor.u32 s29, v1  }
0x120: {  	v63 =	vshll.u32 v6, $0x3  }
0x121: {  	v6 =	vand.u32 $0x7F, v6;
	v8 =	vand.u32 $0xC00, v63;
	[sflag:s26] =	ssyncset.done $0x0  }
0x122: {  	v6 =	vor.u32 v6, v8;
	[sflag:s26] =	ssyncadd.s32 $0xFFFFF000  }
0x123: {  	s31 =	sadd.s32 @!p0 $0x10, s31;
	v8 =	vor.u32 v2, v6;
	v5 =	vld.idx.msk [tilespmem:v5+s17+$0x0], $0xffff  }
0x124: {  	p1 =	sne.s32 @!p0 s31, $0x20F;
	v6 =	vor.u32 v3, v6;
	v7 =	vld.idx.msk [tilespmem:v7+s17+$0x0], $0xffff  }
0x125: {  	p1 =	por p0, !p1  }
.Ltmp0:
0x126: {  	_ = 	snop;
	(pc) =	sbr.rel @!p1 .LBB2_2-.Ltmp0, $4  }
0x127: {  	s2 =	spop @!p0 (v2sf)  }
0x128: {  	s1 =	sadd.s32 @!p0 $0x1, s1;
	[tilespmem:v8+s19+$0x0] =	vst.idx.msk $0xffff, v5;
	s2 =	sand.u32 @!p0 $0xFFFFF80, s2  }
0x129: {  	s10 =	simm.s32 $0x200;
	s3 =	simm.s32 @!p0 $0x7200;
	[tilespmem:v6+s19+$0x0] =	vst.idx.msk $0xffff, v7;
	s2 =	sadd.s32 @!p0 s0, s2  }
0x12a: {  	v5 =	vmov v4;
	[tilespmem:s3], [sflag:$0x8] =	stream.strided.gather @!p0 [hbm4b:s2+s28], $0x1000, s30, s28, $0x38;
	[tilespmem:$0xC200] =	vst v63  }
0x12b: {  	s1 =	rddreg [dreg:$0x5];
	s2 =	simm.s32 $0x1000;
	s3 =	simm.s32 $0x20000  }
0x12c: {  	[hbm4b:s1+s2] =	stream.strided.scatter [tilespmem:s19], [sflag:$0x9], $0x4000, s3, s2, $0x38;
	[tilespmem:$0xC200] =	vst v63  }
0x12d: {  	s3 =	simm.s32 $0x9  }
0x12e: {  	_ =	swait.ge [sflag:s3], $0x4000  }
0x12f: {  	s30 =	rddreg [dreg:$0x7]  }
0x130: {  	s31 =	rddreg [dreg:$0x6];
	s2 =	sadd.s32 $0x1, s30  }
0x131: {  	p0 =	sne.s32 s2, s31  }
.Ltmp1:
0x132: {  	_ = 	snop;
	(pc) =	sbr.rel @p0 .LBB2_1-.Ltmp1, $3  }
0x133: {  	_ =	sdelay $0x1  }
0x134: {  	[sflag:s3] =	ssyncset.done $0x0  }
0x135: {  	[sflag:s3] =	ssyncadd.s32 $0xFFFFC000  }
0x136: {  	_ =	sfence.sel $0x180000  }
0x137: {  	[bflag:$0x0] =	sbarrier.arrive $0xFFFF  }
0x138: {  	_ =	strace $0x90000047  }
0x139: {  	s0 =	stileid.u32;
	[bflag:$0x2] =	sbarrier.arrive $0xFFFF  }
0x13a: {  	p0 =	sne.s32 s0, $0x0;
	s0 =	rddreg [dreg:$0x3]  }
0x13b: {  	s0 =	sadd.s32 @!p0 $0x100000, s0  }
0x13c: {  	[sflag:s0] =	ssyncadd.tile.s32 @!p0 $0x1;
	_ =	shalt  }
.Lfunc_end2:
_tile_overlayer_lowered:
.L_overlay_start_2:
0x13d: {  	(tag) =	ssettag $0x2  }
0x13e: {  	s0 =	rddreg [dreg:$0x0];
	s2 =	stileid.u32  }
0x13f: {  	s1 =	rddreg [dreg:$0x1];
	p0 =	sne.s32 s2, $0x0  }
0x140: {  	s3 =	rddreg [dreg:$0x2];
	[bflag:$0x3] =	sbarrier.arrive $0xFFFF;
	s2 =	simm.s32 @!p0 $0x1C09  }
0x141: {  	[timem:s3], [sflag:s2] =	dma.local @!p0 [hbm:s0], s1  }
0x142: {  	s0 =	simm.s32 @!p0 $0x9  }
0x143: {  	_ =	swait.ge @!p0 [sflag:s0], s1  }
0x144: {  	s1 =	ssub.s32 @!p0 $0x0, s1;
	[sflag:s0] =	ssyncset.done @!p0 $0x0  }
0x145: {  	[sflag:s0] =	ssyncadd.s32 @!p0 s1  }
0x146: {  	[bflag:$0x3] =	sbarrier.arrive $0xFFFF  }
0x147: {  	_ =	shalt  }

</sc_bundles>
